<compile_context>
chip_gen: v7x
topology: tpu7x:2x2x1
jax: 0.10.2.dev20260603
libtpu: 0.0.44.dev20260713+nightly
codegen_flags: <defaults>
</compile_context>

<pallas_src>
import functools

import numpy as np

import jax
import jax.numpy as jnp
from jax import lax
from jax.experimental import pallas as pl
from jax.experimental.pallas import tpu as pltpu
from jax.experimental.pallas import tpu_sc as plsc

ROWS = 128
COLS = 32768
NUM_CORES = 2
NUM_SUBCORES = 16
NUM_WORKERS = NUM_CORES * NUM_SUBCORES
ROWS_PER_WORKER = ROWS // NUM_WORKERS
LANES = 16
NVECS = COLS // LANES
UNROLL = 8
NGROUPS = NVECS // UNROLL

def _vreg_prefix_shift(v, shift_consts):
    s = v
    for idx, msk in shift_consts:
        g = s.at[idx].get(mode="promise_in_bounds")
        s = s + jnp.where(msk, g, jnp.float32(0.0))
    return s


def _inclusive_prefix_tree(ts):
    n = len(ts)
    a = list(ts)
    d = 1
    while d < n:
        for start in range(0, n, 2 * d):
            left_last = a[start + d - 1]
            for j in range(start + d, min(start + 2 * d, n)):
                a[j] = a[j] + left_last
        d *= 2
    return a


def _sc_row_cumsum(x, row0, rows):
    rows_per_worker = rows // NUM_WORKERS
    mesh = plsc.VectorSubcoreMesh(
        core_axis_name="c", subcore_axis_name="s")

    @functools.partial(
        pl.kernel,
        out_type=jax.ShapeDtypeStruct((rows, COLS), jnp.float32),
        mesh=mesh,
        scratch_types=[
            pltpu.VMEM((2, COLS), jnp.float32),
            pltpu.SemaphoreType.DMA,
            pltpu.SemaphoreType.DMA,
            pltpu.SemaphoreType.DMA,
            pltpu.SemaphoreType.DMA,
        ],
        compiler_params=pltpu.CompilerParams(needs_layout_passes=False),
    )
    def k(x_hbm, out_hbm, buf, in_sem0, in_sem1, out_sem0, out_sem1):
        wid = lax.axis_index("s") * NUM_CORES + lax.axis_index("c")
        iota = lax.iota(jnp.int32, LANES)
        idx_last = jnp.full((LANES,), LANES - 1, jnp.int32)
        shift_consts = [(jnp.maximum(iota - d, 0), iota >= d)
                        for d in (1, 2, 4, 8)]
        in_sems = (in_sem0, in_sem1)
        out_sems = (out_sem0, out_sem1)

        def row_idx(r):
            return wid * rows_per_worker + r

        def in_row_idx(r):
            return row0 + wid * rows_per_worker + r

        def scan_row(b):
            def group_body(g, c):
                base = g * (UNROLL * LANES)
                sls = [pl.ds(base + j * LANES, LANES) for j in range(UNROLL)]
                ss = [plsc.cumsum(buf[b, sl]) for sl in sls]
                ts = [s.at[idx_last].get(mode="promise_in_bounds")
                      for s in ss]
                incl = _inclusive_prefix_tree(ts)
                pres = [c] + [c + incl[j] for j in range(UNROLL - 1)]
                for j in range(UNROLL):
                    buf[b, sls[j]] = ss[j] + pres[j]
                return c + incl[UNROLL - 1]

            plsc.parallel_loop(
                0, NGROUPS, 1, carry=jnp.zeros((LANES,), jnp.float32)
            )(group_body)

        pending_out = [None, None]
        copy_in = pltpu.async_copy(
            x_hbm.at[in_row_idx(0)], buf.at[0], in_sems[0])
        for r in range(rows_per_worker):
            b = r % 2
            nb = (r + 1) % 2
            if r + 1 < rows_per_worker:
                if pending_out[nb] is not None:
                    pending_out[nb].wait()
                    pending_out[nb] = None
                next_in = pltpu.async_copy(
                    x_hbm.at[in_row_idx(r + 1)], buf.at[nb], in_sems[nb])
            copy_in.wait()
            scan_row(b)
            pending_out[b] = pltpu.async_copy(
                buf.at[b], out_hbm.at[row_idx(r)], out_sems[b])
            if r + 1 < rows_per_worker:
                copy_in = next_in
        for p in pending_out:
            if p is not None:
                p.wait()

    return k(x)


BLK = 128
NBLK = COLS // BLK


TC_COL_BLK = 2048
TC_SUB = TC_COL_BLK // BLK


def _tc_block_scan_kernel(x_ref, upper_ref, o_ref, carry_ref):
    rows = x_ref.shape[0]

    @pl.when(pl.program_id(0) == 0)
    def _init():
        carry_ref[...] = jnp.zeros((rows, BLK), jnp.float32)

    xs = x_ref[...]
    u = upper_ref[...]
    c = carry_ref[...]
    outs = []
    for i in range(TC_SUB):
        blk = xs[:, i * BLK:(i + 1) * BLK]
        cum = lax.dot_general(blk, u, (((1,), (0,)), ((), ())),
                              preferred_element_type=jnp.float32) + c
        outs.append(cum)
        c = jnp.broadcast_to(cum[:, BLK - 1:BLK], (rows, BLK))
    o_ref[...] = jnp.concatenate(outs, axis=1)
    carry_ref[...] = c


def _tc_row_cumsum(x, rows):
    i = lax.broadcasted_iota(jnp.int32, (BLK, BLK), 0)
    j = lax.broadcasted_iota(jnp.int32, (BLK, BLK), 1)
    upper = (i <= j).astype(jnp.float32)
    return pl.pallas_call(
        _tc_block_scan_kernel,
        grid=(COLS // TC_COL_BLK,),
        in_specs=[
            pl.BlockSpec((rows, TC_COL_BLK), lambda g: (0, g)),
            pl.BlockSpec((BLK, BLK), lambda g: (0, 0)),
        ],
        out_specs=pl.BlockSpec((rows, TC_COL_BLK), lambda g: (0, g)),
        out_shape=jax.ShapeDtypeStruct((x.shape[0], COLS), jnp.float32),
        scratch_shapes=[pltpu.VMEM((rows, BLK), jnp.float32)],
    )(x, upper)


SC_ROWS = 32


def kernel(x):
    sc_out = _sc_row_cumsum(x, ROWS - SC_ROWS, SC_ROWS)
    tc_out = _tc_row_cumsum(x, ROWS - SC_ROWS)
    return lax.dynamic_update_slice(tc_out, sc_out, (ROWS - SC_ROWS, 0))

# --- scband reference (transcript-rebuilt; emitter-appended) ---
"""Pipeline reference for scband-model-new-23656679867329 (READ-ONLY COPY).

The authoritative reference and input builder live on the scoring server;
editing this copy changes nothing except your own understanding.
"""

import jax, jax.numpy as jnp
import numpy as np

def setup_inputs(seed: int = 0) -> dict:
    key = jax.random.key(seed)
    x = jax.random.normal(key, (128, 32768), dtype=jnp.float32)
    return {"x": x}

def reference(x):
    # Faithful translation of the module: inclusive prefix sum (cumsum) along dim=1.
    return jnp.cumsum(x, axis=1)

if __name__ == "__main__":
    import jax
    _d = setup_inputs()
    print(jax.jit(kernel)(*tuple(_d.values())))

</pallas_src>

<mosaic_0001>
#map = affine_map<(d0, d1) -> (0, 0)>
module attributes {stable_mosaic.version = 14 : i64} {
  func.func @k(%arg0: i32, %arg1: i32, %arg2: memref<128x32768xf32, #tpu.memory_space<hbm>>, %arg3: memref<32x32768xf32, #tpu.memory_space<hbm>>, %arg4: memref<2x32768xf32, #tpu.memory_space<vmem>>, %arg5: memref<!tpu.dma_semaphore, #tpu.memory_space<semaphore_mem>>, %arg6: memref<!tpu.dma_semaphore, #tpu.memory_space<semaphore_mem>>, %arg7: memref<!tpu.dma_semaphore, #tpu.memory_space<semaphore_mem>>, %arg8: memref<!tpu.dma_semaphore, #tpu.memory_space<semaphore_mem>>) attributes {dimension_semantics = [#tpu.dimension_semantics<core_parallel>, #tpu.dimension_semantics<subcore_parallel>], iteration_bounds = array<i64: 2, 16>, scalar_prefetch = 0 : i64, scratch_operands = 5 : i64, tpu.core_type = #tpu.core_type<sc_vector_subcore>, window_params = [{transform_indices = #map}, {transform_indices = #map}]} {
    %mul3A = arith.constant 2 : i32
    %mul3A_0 = arith.muli %arg1, %mul3A : i32
    %add3A = arith.addi %mul3A_0, %arg0 : i32
    %iota3A = tpu.iota {dimensions = array<i32: 0>} : vector<16xi32>
    %broadcast_in_dim3A = arith.constant 15 : i32
    %broadcast_in_dim3A_1 = vector.broadcast %broadcast_in_dim3A : i32 to vector<16xi32>
    %sub3A = arith.constant 1 : i32
    %sub3A_2 = vector.broadcast %sub3A : i32 to vector<16xi32>
    %sub3A_3 = arith.subi %iota3A, %sub3A_2 : vector<16xi32>
    %max3A = arith.constant 0 : i32
    %max3A_4 = vector.broadcast %max3A : i32 to vector<16xi32>
    %max3A_5 = arith.maxsi %sub3A_3, %max3A_4 : vector<16xi32>
    %ge3A = arith.constant 1 : i32
    %ge3A_6 = vector.broadcast %ge3A : i32 to vector<16xi32>
    %ge3A_7 = arith.cmpi sge, %iota3A, %ge3A_6 : vector<16xi32>
    %sub3A_8 = arith.constant 2 : i32
    %sub3A_9 = vector.broadcast %sub3A_8 : i32 to vector<16xi32>
    %sub3A_10 = arith.subi %iota3A, %sub3A_9 : vector<16xi32>
    %max3A_11 = arith.constant 0 : i32
    %max3A_12 = vector.broadcast %max3A_11 : i32 to vector<16xi32>
    %max3A_13 = arith.maxsi %sub3A_10, %max3A_12 : vector<16xi32>
    %ge3A_14 = arith.constant 2 : i32
    %ge3A_15 = vector.broadcast %ge3A_14 : i32 to vector<16xi32>
    %ge3A_16 = arith.cmpi sge, %iota3A, %ge3A_15 : vector<16xi32>
    %sub3A_17 = arith.constant 4 : i32
    %sub3A_18 = vector.broadcast %sub3A_17 : i32 to vector<16xi32>
    %sub3A_19 = arith.subi %iota3A, %sub3A_18 : vector<16xi32>
    %max3A_20 = arith.constant 0 : i32
    %max3A_21 = vector.broadcast %max3A_20 : i32 to vector<16xi32>
    %max3A_22 = arith.maxsi %sub3A_19, %max3A_21 : vector<16xi32>
    %ge3A_23 = arith.constant 4 : i32
    %ge3A_24 = vector.broadcast %ge3A_23 : i32 to vector<16xi32>
    %ge3A_25 = arith.cmpi sge, %iota3A, %ge3A_24 : vector<16xi32>
    %sub3A_26 = arith.constant 8 : i32
    %sub3A_27 = vector.broadcast %sub3A_26 : i32 to vector<16xi32>
    %sub3A_28 = arith.subi %iota3A, %sub3A_27 : vector<16xi32>
    %max3A_29 = arith.constant 0 : i32
    %max3A_30 = vector.broadcast %max3A_29 : i32 to vector<16xi32>
    %max3A_31 = arith.maxsi %sub3A_28, %max3A_30 : vector<16xi32>
    %ge3A_32 = arith.constant 8 : i32
    %ge3A_33 = vector.broadcast %ge3A_32 : i32 to vector<16xi32>
    %ge3A_34 = arith.cmpi sge, %iota3A, %ge3A_33 : vector<16xi32>
    %mul3A_35 = arith.constant 1 : i32
    %mul3A_36 = arith.muli %add3A, %mul3A_35 : i32
    %add3A_37 = arith.constant 96 : i32
    %add3A_38 = arith.addi %add3A_37, %mul3A_36 : i32
    %add3A_39 = arith.constant 0 : i32
    %add3A_40 = arith.addi %add3A_38, %add3A_39 : i32
    %dma_start3A = arith.constant 0 : i32
    %dma_start3A_41 = arith.constant 0 : i32
    %dma_start3A_42 = tpu.memref_slice %arg4[%dma_start3A, %dma_start3A_41] : memref<2x32768xf32, #tpu.memory_space<vmem>> -> memref<1x32768xf32, #tpu.memory_space<vmem>>
    %dma_start3A_43 = tpu.memref_squeeze %dma_start3A_42 : memref<1x32768xf32, #tpu.memory_space<vmem>> -> memref<32768xf32, #tpu.memory_space<vmem>>
    %dma_start3A_44 = arith.constant 0 : i32
    %dma_start3A_45 = tpu.memref_slice %arg2[%add3A_40, %dma_start3A_44] : memref<128x32768xf32, #tpu.memory_space<hbm>> -> memref<1x32768xf32, #tpu.memory_space<hbm>>
    %dma_start3A_46 = tpu.memref_squeeze %dma_start3A_45 : memref<1x32768xf32, #tpu.memory_space<hbm>> -> memref<32768xf32, #tpu.memory_space<hbm>>
    %dma_start3A_47 = arith.constant 0 : i32
    %dma_start3A_48 = tpu.memref_slice %arg4[%dma_start3A, %dma_start3A_47] : memref<2x32768xf32, #tpu.memory_space<vmem>> -> memref<1x32768xf32, #tpu.memory_space<vmem>>
    %dma_start3A_49 = tpu.memref_squeeze %dma_start3A_48 : memref<1x32768xf32, #tpu.memory_space<vmem>> -> memref<32768xf32, #tpu.memory_space<vmem>>
    %dma_start3A_50 = arith.constant 0 : i32
    %dma_start3A_51 = tpu.memref_slice %arg2[%add3A_40, %dma_start3A_50] : memref<128x32768xf32, #tpu.memory_space<hbm>> -> memref<1x32768xf32, #tpu.memory_space<hbm>>
    %dma_start3A_52 = tpu.memref_squeeze %dma_start3A_51 : memref<1x32768xf32, #tpu.memory_space<hbm>> -> memref<32768xf32, #tpu.memory_space<hbm>>
    tpu.enqueue_dma source(%dma_start3A_52 : memref<32768xf32, #tpu.memory_space<hbm>>) target(%dma_start3A_49 : memref<32768xf32, #tpu.memory_space<vmem>>) target_semaphore(%arg5 : memref<!tpu.dma_semaphore, #tpu.memory_space<semaphore_mem>>)
    %dma_wait3A = arith.constant 0 : i32
    %dma_wait3A_53 = arith.constant 0 : i32
    %dma_wait3A_54 = tpu.memref_slice %arg4[%dma_wait3A, %dma_wait3A_53] : memref<2x32768xf32, #tpu.memory_space<vmem>> -> memref<1x32768xf32, #tpu.memory_space<vmem>>
    %dma_wait3A_55 = tpu.memref_squeeze %dma_wait3A_54 : memref<1x32768xf32, #tpu.memory_space<vmem>> -> memref<32768xf32, #tpu.memory_space<vmem>>
    %dma_wait3A_56 = arith.constant 0 : i32
    %dma_wait3A_57 = tpu.memref_slice %arg2[%add3A_40, %dma_wait3A_56] : memref<128x32768xf32, #tpu.memory_space<hbm>> -> memref<1x32768xf32, #tpu.memory_space<hbm>>
    %dma_wait3A_58 = tpu.memref_squeeze %dma_wait3A_57 : memref<1x32768xf32, #tpu.memory_space<hbm>> -> memref<32768xf32, #tpu.memory_space<hbm>>
    %dma_wait3A_59 = arith.constant 0 : i32
    %dma_wait3A_60 = tpu.memref_slice %arg4[%dma_wait3A, %dma_wait3A_59] : memref<2x32768xf32, #tpu.memory_space<vmem>> -> memref<1x32768xf32, #tpu.memory_space<vmem>>
    %dma_wait3A_61 = tpu.memref_squeeze %dma_wait3A_60 : memref<1x32768xf32, #tpu.memory_space<vmem>> -> memref<32768xf32, #tpu.memory_space<vmem>>
    %dma_wait3A_62 = arith.constant 0 : i32
    %dma_wait3A_63 = tpu.memref_slice %arg2[%add3A_40, %dma_wait3A_62] : memref<128x32768xf32, #tpu.memory_space<hbm>> -> memref<1x32768xf32, #tpu.memory_space<hbm>>
    %dma_wait3A_64 = tpu.memref_squeeze %dma_wait3A_63 : memref<1x32768xf32, #tpu.memory_space<hbm>> -> memref<32768xf32, #tpu.memory_space<hbm>>
    tpu.wait_dma2 semaphore(%arg5 : memref<!tpu.dma_semaphore, #tpu.memory_space<semaphore_mem>>) src(%dma_wait3A_64 : memref<32768xf32, #tpu.memory_space<hbm>>) dst(%dma_wait3A_61 : memref<32768xf32, #tpu.memory_space<vmem>>)
    %broadcast_in_dim3A_65 = arith.constant 0.000000e+00 : f32
    %broadcast_in_dim3A_66 = vector.broadcast %broadcast_in_dim3A_65 : f32 to vector<16xf32>
    %parallel_loop3A = arith.constant 0 : i32
    %parallel_loop3A_67 = arith.constant 256 : i32
    %parallel_loop3A_68 = arith.constant 1 : i32
    %parallel_loop3A_69 = scf.for %parallel_loop3A_100 = %parallel_loop3A to %parallel_loop3A_67 step %parallel_loop3A_68 iter_args(%parallel_loop3A_101 = %broadcast_in_dim3A_66) -> (vector<16xf32>)  : i32 {
      %parallel_loop3A_102 = arith.constant 128 : i32
      %parallel_loop3A_103 = arith.muli %parallel_loop3A_100, %parallel_loop3A_102 : i32
      %parallel_loop3A_104 = arith.constant 0 : i32
      %parallel_loop3A_105 = arith.addi %parallel_loop3A_103, %parallel_loop3A_104 : i32
      %parallel_loop3A_106 = arith.constant 16 : i32
      %parallel_loop3A_107 = arith.addi %parallel_loop3A_103, %parallel_loop3A_106 : i32
      %parallel_loop3A_108 = arith.constant 32 : i32
      %parallel_loop3A_109 = arith.addi %parallel_loop3A_103, %parallel_loop3A_108 : i32
      %parallel_loop3A_110 = arith.constant 48 : i32
      %parallel_loop3A_111 = arith.addi %parallel_loop3A_103, %parallel_loop3A_110 : i32
      %parallel_loop3A_112 = arith.constant 64 : i32
      %parallel_loop3A_113 = arith.addi %parallel_loop3A_103, %parallel_loop3A_112 : i32
      %parallel_loop3A_114 = arith.constant 80 : i32
      %parallel_loop3A_115 = arith.addi %parallel_loop3A_103, %parallel_loop3A_114 : i32
      %parallel_loop3A_116 = arith.constant 96 : i32
      %parallel_loop3A_117 = arith.addi %parallel_loop3A_103, %parallel_loop3A_116 : i32
      %parallel_loop3A_118 = arith.constant 112 : i32
      %parallel_loop3A_119 = arith.addi %parallel_loop3A_103, %parallel_loop3A_118 : i32
      %parallel_loop3A_120 = arith.constant 0 : i32
      %parallel_loop3A_121 = arith.index_cast %parallel_loop3A_120 : i32 to index
      %parallel_loop3A_122 = arith.index_cast %parallel_loop3A_105 : i32 to index
      %parallel_loop3A_123 = tpu.vector_load %arg4[%parallel_loop3A_121, %parallel_loop3A_122] {strides = array<i32>} : memref<2x32768xf32, #tpu.memory_space<vmem>>, vector<16xf32>,
      %parallel_loop3A_124 = arith.constant true
      %parallel_loop3A_125 = vector.broadcast %parallel_loop3A_124 : i1 to vector<16xi1>
      %parallel_loop3A_126 = tpu.scan <sum>, %parallel_loop3A_123 masked %parallel_loop3A_125 : vector<16xf32>, vector<16xi1> -> vector<16xf32>
      %parallel_loop3A_127 = arith.constant 0 : i32
      %parallel_loop3A_128 = arith.index_cast %parallel_loop3A_127 : i32 to index
      %parallel_loop3A_129 = arith.index_cast %parallel_loop3A_107 : i32 to index
      %parallel_loop3A_130 = tpu.vector_load %arg4[%parallel_loop3A_128, %parallel_loop3A_129] {strides = array<i32>} : memref<2x32768xf32, #tpu.memory_space<vmem>>, vector<16xf32>,
      %parallel_loop3A_131 = arith.constant true
      %parallel_loop3A_132 = vector.broadcast %parallel_loop3A_131 : i1 to vector<16xi1>
      %parallel_loop3A_133 = tpu.scan <sum>, %parallel_loop3A_130 masked %parallel_loop3A_132 : vector<16xf32>, vector<16xi1> -> vector<16xf32>
      %parallel_loop3A_134 = arith.constant 0 : i32
      %parallel_loop3A_135 = arith.index_cast %parallel_loop3A_134 : i32 to index
      %parallel_loop3A_136 = arith.index_cast %parallel_loop3A_109 : i32 to index
      %parallel_loop3A_137 = tpu.vector_load %arg4[%parallel_loop3A_135, %parallel_loop3A_136] {strides = array<i32>} : memref<2x32768xf32, #tpu.memory_space<vmem>>, vector<16xf32>,
      %parallel_loop3A_138 = arith.constant true
      %parallel_loop3A_139 = vector.broadcast %parallel_loop3A_138 : i1 to vector<16xi1>
      %parallel_loop3A_140 = tpu.scan <sum>, %parallel_loop3A_137 masked %parallel_loop3A_139 : vector<16xf32>, vector<16xi1> -> vector<16xf32>
      %parallel_loop3A_141 = arith.constant 0 : i32
      %parallel_loop3A_142 = arith.index_cast %parallel_loop3A_141 : i32 to index
      %parallel_loop3A_143 = arith.index_cast %parallel_loop3A_111 : i32 to index
      %parallel_loop3A_144 = tpu.vector_load %arg4[%parallel_loop3A_142, %parallel_loop3A_143] {strides = array<i32>} : memref<2x32768xf32, #tpu.memory_space<vmem>>, vector<16xf32>,
      %parallel_loop3A_145 = arith.constant true
      %parallel_loop3A_146 = vector.broadcast %parallel_loop3A_145 : i1 to vector<16xi1>
      %parallel_loop3A_147 = tpu.scan <sum>, %parallel_loop3A_144 masked %parallel_loop3A_146 : vector<16xf32>, vector<16xi1> -> vector<16xf32>
      %parallel_loop3A_148 = arith.constant 0 : i32
      %parallel_loop3A_149 = arith.index_cast %parallel_loop3A_148 : i32 to index
      %parallel_loop3A_150 = arith.index_cast %parallel_loop3A_113 : i32 to index
      %parallel_loop3A_151 = tpu.vector_load %arg4[%parallel_loop3A_149, %parallel_loop3A_150] {strides = array<i32>} : memref<2x32768xf32, #tpu.memory_space<vmem>>, vector<16xf32>,
      %parallel_loop3A_152 = arith.constant true
      %parallel_loop3A_153 = vector.broadcast %parallel_loop3A_152 : i1 to vector<16xi1>
      %parallel_loop3A_154 = tpu.scan <sum>, %parallel_loop3A_151 masked %parallel_loop3A_153 : vector<16xf32>, vector<16xi1> -> vector<16xf32>
      %parallel_loop3A_155 = arith.constant 0 : i32
      %parallel_loop3A_156 = arith.index_cast %parallel_loop3A_155 : i32 to index
      %parallel_loop3A_157 = arith.index_cast %parallel_loop3A_115 : i32 to index
      %parallel_loop3A_158 = tpu.vector_load %arg4[%parallel_loop3A_156, %parallel_loop3A_157] {strides = array<i32>} : memref<2x32768xf32, #tpu.memory_space<vmem>>, vector<16xf32>,
      %parallel_loop3A_159 = arith.constant true
      %parallel_loop3A_160 = vector.broadcast %parallel_loop3A_159 : i1 to vector<16xi1>
      %parallel_loop3A_161 = tpu.scan <sum>, %parallel_loop3A_158 masked %parallel_loop3A_160 : vector<16xf32>, vector<16xi1> -> vector<16xf32>
      %parallel_loop3A_162 = arith.constant 0 : i32
      %parallel_loop3A_163 = arith.index_cast %parallel_loop3A_162 : i32 to index
      %parallel_loop3A_164 = arith.index_cast %parallel_loop3A_117 : i32 to index
      %parallel_loop3A_165 = tpu.vector_load %arg4[%parallel_loop3A_163, %parallel_loop3A_164] {strides = array<i32>} : memref<2x32768xf32, #tpu.memory_space<vmem>>, vector<16xf32>,
      %parallel_loop3A_166 = arith.constant true
      %parallel_loop3A_167 = vector.broadcast %parallel_loop3A_166 : i1 to vector<16xi1>
      %parallel_loop3A_168 = tpu.scan <sum>, %parallel_loop3A_165 masked %parallel_loop3A_167 : vector<16xf32>, vector<16xi1> -> vector<16xf32>
      %parallel_loop3A_169 = arith.constant 0 : i32
      %parallel_loop3A_170 = arith.index_cast %parallel_loop3A_169 : i32 to index
      %parallel_loop3A_171 = arith.index_cast %parallel_loop3A_119 : i32 to index
      %parallel_loop3A_172 = tpu.vector_load %arg4[%parallel_loop3A_170, %parallel_loop3A_171] {strides = array<i32>} : memref<2x32768xf32, #tpu.memory_space<vmem>>, vector<16xf32>,
      %parallel_loop3A_173 = arith.constant true
      %parallel_loop3A_174 = vector.broadcast %parallel_loop3A_173 : i1 to vector<16xi1>
      %parallel_loop3A_175 = tpu.scan <sum>, %parallel_loop3A_172 masked %parallel_loop3A_174 : vector<16xf32>, vector<16xi1> -> vector<16xf32>
      %parallel_loop3A_176 = arith.constant 0 : i32
      %parallel_loop3A_177 = vector.broadcast %parallel_loop3A_176 : i32 to vector<16xi32>
      %parallel_loop3A_178 = arith.cmpi slt, %broadcast_in_dim3A_1, %parallel_loop3A_177 : vector<16xi32>
      %parallel_loop3A_179 = arith.constant 16 : i32
      %parallel_loop3A_180 = vector.broadcast %parallel_loop3A_179 : i32 to vector<16xi32>
      %parallel_loop3A_181 = arith.addi %broadcast_in_dim3A_1, %parallel_loop3A_180 : vector<16xi32>
      %parallel_loop3A_182 = arith.select %parallel_loop3A_178, %parallel_loop3A_181, %broadcast_in_dim3A_1 : vector<16xi1>, vector<16xi32>
      %parallel_loop3A_183 = vector.shape_cast %parallel_loop3A_182 : vector<16xi32> to vector<16x1xi32>
      %parallel_loop3A_184 = vector.shape_cast %parallel_loop3A_183 : vector<16x1xi32> to vector<16xi32>
      %parallel_loop3A_185 = tpu.dynamic_gather %parallel_loop3A_126[%parallel_loop3A_184] in [0] : vector<16xf32>, vector<16xi32> -> vector<16xf32>
      %parallel_loop3A_186 = arith.constant 0 : i32
      %parallel_loop3A_187 = vector.broadcast %parallel_loop3A_186 : i32 to vector<16xi32>
      %parallel_loop3A_188 = arith.cmpi slt, %broadcast_in_dim3A_1, %parallel_loop3A_187 : vector<16xi32>
      %parallel_loop3A_189 = arith.constant 16 : i32
      %parallel_loop3A_190 = vector.broadcast %parallel_loop3A_189 : i32 to vector<16xi32>
      %parallel_loop3A_191 = arith.addi %broadcast_in_dim3A_1, %parallel_loop3A_190 : vector<16xi32>
      %parallel_loop3A_192 = arith.select %parallel_loop3A_188, %parallel_loop3A_191, %broadcast_in_dim3A_1 : vector<16xi1>, vector<16xi32>
      %parallel_loop3A_193 = vector.shape_cast %parallel_loop3A_192 : vector<16xi32> to vector<16x1xi32>
      %parallel_loop3A_194 = vector.shape_cast %parallel_loop3A_193 : vector<16x1xi32> to vector<16xi32>
      %parallel_loop3A_195 = tpu.dynamic_gather %parallel_loop3A_133[%parallel_loop3A_194] in [0] : vector<16xf32>, vector<16xi32> -> vector<16xf32>
      %parallel_loop3A_196 = arith.constant 0 : i32
      %parallel_loop3A_197 = vector.broadcast %parallel_loop3A_196 : i32 to vector<16xi32>
      %parallel_loop3A_198 = arith.cmpi slt, %broadcast_in_dim3A_1, %parallel_loop3A_197 : vector<16xi32>
      %parallel_loop3A_199 = arith.constant 16 : i32
      %parallel_loop3A_200 = vector.broadcast %parallel_loop3A_199 : i32 to vector<16xi32>
      %parallel_loop3A_201 = arith.addi %broadcast_in_dim3A_1, %parallel_loop3A_200 : vector<16xi32>
      %parallel_loop3A_202 = arith.select %parallel_loop3A_198, %parallel_loop3A_201, %broadcast_in_dim3A_1 : vector<16xi1>, vector<16xi32>
      %parallel_loop3A_203 = vector.shape_cast %parallel_loop3A_202 : vector<16xi32> to vector<16x1xi32>
      %parallel_loop3A_204 = vector.shape_cast %parallel_loop3A_203 : vector<16x1xi32> to vector<16xi32>
      %parallel_loop3A_205 = tpu.dynamic_gather %parallel_loop3A_140[%parallel_loop3A_204] in [0] : vector<16xf32>, vector<16xi32> -> vector<16xf32>
      %parallel_loop3A_206 = arith.constant 0 : i32
      %parallel_loop3A_207 = vector.broadcast %parallel_loop3A_206 : i32 to vector<16xi32>
      %parallel_loop3A_208 = arith.cmpi slt, %broadcast_in_dim3A_1, %parallel_loop3A_207 : vector<16xi32>
      %parallel_loop3A_209 = arith.constant 16 : i32
      %parallel_loop3A_210 = vector.broadcast %parallel_loop3A_209 : i32 to vector<16xi32>
      %parallel_loop3A_211 = arith.addi %broadcast_in_dim3A_1, %parallel_loop3A_210 : vector<16xi32>
      %parallel_loop3A_212 = arith.select %parallel_loop3A_208, %parallel_loop3A_211, %broadcast_in_dim3A_1 : vector<16xi1>, vector<16xi32>
      %parallel_loop3A_213 = vector.shape_cast %parallel_loop3A_212 : vector<16xi32> to vector<16x1xi32>
      %parallel_loop3A_214 = vector.shape_cast %parallel_loop3A_213 : vector<16x1xi32> to vector<16xi32>
      %parallel_loop3A_215 = tpu.dynamic_gather %parallel_loop3A_147[%parallel_loop3A_214] in [0] : vector<16xf32>, vector<16xi32> -> vector<16xf32>
      %parallel_loop3A_216 = arith.constant 0 : i32
      %parallel_loop3A_217 = vector.broadcast %parallel_loop3A_216 : i32 to vector<16xi32>
      %parallel_loop3A_218 = arith.cmpi slt, %broadcast_in_dim3A_1, %parallel_loop3A_217 : vector<16xi32>
      %parallel_loop3A_219 = arith.constant 16 : i32
      %parallel_loop3A_220 = vector.broadcast %parallel_loop3A_219 : i32 to vector<16xi32>
      %parallel_loop3A_221 = arith.addi %broadcast_in_dim3A_1, %parallel_loop3A_220 : vector<16xi32>
      %parallel_loop3A_222 = arith.select %parallel_loop3A_218, %parallel_loop3A_221, %broadcast_in_dim3A_1 : vector<16xi1>, vector<16xi32>
      %parallel_loop3A_223 = vector.shape_cast %parallel_loop3A_222 : vector<16xi32> to vector<16x1xi32>
      %parallel_loop3A_224 = vector.shape_cast %parallel_loop3A_223 : vector<16x1xi32> to vector<16xi32>
      %parallel_loop3A_225 = tpu.dynamic_gather %parallel_loop3A_154[%parallel_loop3A_224] in [0] : vector<16xf32>, vector<16xi32> -> vector<16xf32>
      %parallel_loop3A_226 = arith.constant 0 : i32
      %parallel_loop3A_227 = vector.broadcast %parallel_loop3A_226 : i32 to vector<16xi32>
      %parallel_loop3A_228 = arith.cmpi slt, %broadcast_in_dim3A_1, %parallel_loop3A_227 : vector<16xi32>
      %parallel_loop3A_229 = arith.constant 16 : i32
      %parallel_loop3A_230 = vector.broadcast %parallel_loop3A_229 : i32 to vector<16xi32>
      %parallel_loop3A_231 = arith.addi %broadcast_in_dim3A_1, %parallel_loop3A_230 : vector<16xi32>
      %parallel_loop3A_232 = arith.select %parallel_loop3A_228, %parallel_loop3A_231, %broadcast_in_dim3A_1 : vector<16xi1>, vector<16xi32>
      %parallel_loop3A_233 = vector.shape_cast %parallel_loop3A_232 : vector<16xi32> to vector<16x1xi32>
      %parallel_loop3A_234 = vector.shape_cast %parallel_loop3A_233 : vector<16x1xi32> to vector<16xi32>
      %parallel_loop3A_235 = tpu.dynamic_gather %parallel_loop3A_161[%parallel_loop3A_234] in [0] : vector<16xf32>, vector<16xi32> -> vector<16xf32>
      %parallel_loop3A_236 = arith.constant 0 : i32
      %parallel_loop3A_237 = vector.broadcast %parallel_loop3A_236 : i32 to vector<16xi32>
      %parallel_loop3A_238 = arith.cmpi slt, %broadcast_in_dim3A_1, %parallel_loop3A_237 : vector<16xi32>
      %parallel_loop3A_239 = arith.constant 16 : i32
      %parallel_loop3A_240 = vector.broadcast %parallel_loop3A_239 : i32 to vector<16xi32>
      %parallel_loop3A_241 = arith.addi %broadcast_in_dim3A_1, %parallel_loop3A_240 : vector<16xi32>
      %parallel_loop3A_242 = arith.select %parallel_loop3A_238, %parallel_loop3A_241, %broadcast_in_dim3A_1 : vector<16xi1>, vector<16xi32>
      %parallel_loop3A_243 = vector.shape_cast %parallel_loop3A_242 : vector<16xi32> to vector<16x1xi32>
      %parallel_loop3A_244 = vector.shape_cast %parallel_loop3A_243 : vector<16x1xi32> to vector<16xi32>
      %parallel_loop3A_245 = tpu.dynamic_gather %parallel_loop3A_168[%parallel_loop3A_244] in [0] : vector<16xf32>, vector<16xi32> -> vector<16xf32>
      %parallel_loop3A_246 = arith.constant 0 : i32
      %parallel_loop3A_247 = vector.broadcast %parallel_loop3A_246 : i32 to vector<16xi32>
      %parallel_loop3A_248 = arith.cmpi slt, %broadcast_in_dim3A_1, %parallel_loop3A_247 : vector<16xi32>
      %parallel_loop3A_249 = arith.constant 16 : i32
      %parallel_loop3A_250 = vector.broadcast %parallel_loop3A_249 : i32 to vector<16xi32>
      %parallel_loop3A_251 = arith.addi %broadcast_in_dim3A_1, %parallel_loop3A_250 : vector<16xi32>
      %parallel_loop3A_252 = arith.select %parallel_loop3A_248, %parallel_loop3A_251, %broadcast_in_dim3A_1 : vector<16xi1>, vector<16xi32>
      %parallel_loop3A_253 = vector.shape_cast %parallel_loop3A_252 : vector<16xi32> to vector<16x1xi32>
      %parallel_loop3A_254 = vector.shape_cast %parallel_loop3A_253 : vector<16x1xi32> to vector<16xi32>
      %parallel_loop3A_255 = tpu.dynamic_gather %parallel_loop3A_175[%parallel_loop3A_254] in [0] : vector<16xf32>, vector<16xi32> -> vector<16xf32>
      %parallel_loop3A_256 = arith.addf %parallel_loop3A_195, %parallel_loop3A_185 : vector<16xf32>
      %parallel_loop3A_257 = arith.addf %parallel_loop3A_215, %parallel_loop3A_205 : vector<16xf32>
      %parallel_loop3A_258 = arith.addf %parallel_loop3A_235, %parallel_loop3A_225 : vector<16xf32>
      %parallel_loop3A_259 = arith.addf %parallel_loop3A_255, %parallel_loop3A_245 : vector<16xf32>
      %parallel_loop3A_260 = arith.addf %parallel_loop3A_205, %parallel_loop3A_256 : vector<16xf32>
      %parallel_loop3A_261 = arith.addf %parallel_loop3A_257, %parallel_loop3A_256 : vector<16xf32>
      %parallel_loop3A_262 = arith.addf %parallel_loop3A_245, %parallel_loop3A_258 : vector<16xf32>
      %parallel_loop3A_263 = arith.addf %parallel_loop3A_259, %parallel_loop3A_258 : vector<16xf32>
      %parallel_loop3A_264 = arith.addf %parallel_loop3A_225, %parallel_loop3A_261 : vector<16xf32>
      %parallel_loop3A_265 = arith.addf %parallel_loop3A_258, %parallel_loop3A_261 : vector<16xf32>
      %parallel_loop3A_266 = arith.addf %parallel_loop3A_262, %parallel_loop3A_261 : vector<16xf32>
      %parallel_loop3A_267 = arith.addf %parallel_loop3A_263, %parallel_loop3A_261 : vector<16xf32>
      %parallel_loop3A_268 = arith.addf %parallel_loop3A_101, %parallel_loop3A_185 : vector<16xf32>
      %parallel_loop3A_269 = arith.addf %parallel_loop3A_101, %parallel_loop3A_256 : vector<16xf32>
      %parallel_loop3A_270 = arith.addf %parallel_loop3A_101, %parallel_loop3A_260 : vector<16xf32>
      %parallel_loop3A_271 = arith.addf %parallel_loop3A_101, %parallel_loop3A_261 : vector<16xf32>
      %parallel_loop3A_272 = arith.addf %parallel_loop3A_101, %parallel_loop3A_264 : vector<16xf32>
      %parallel_loop3A_273 = arith.addf %parallel_loop3A_101, %parallel_loop3A_265 : vector<16xf32>
      %parallel_loop3A_274 = arith.addf %parallel_loop3A_101, %parallel_loop3A_266 : vector<16xf32>
      %parallel_loop3A_275 = arith.addf %parallel_loop3A_126, %parallel_loop3A_101 : vector<16xf32>
      %parallel_loop3A_276 = arith.constant 0 : i32
      %parallel_loop3A_277 = arith.index_cast %parallel_loop3A_276 : i32 to index
      %parallel_loop3A_278 = arith.index_cast %parallel_loop3A_105 : i32 to index
      %parallel_loop3A_279 = tpu.vector_load %arg4[%parallel_loop3A_277, %parallel_loop3A_278] {strides = array<i32>} : memref<2x32768xf32, #tpu.memory_space<vmem>>, vector<16xf32>,
      tpu.vector_store %arg4[%parallel_loop3A_277, %parallel_loop3A_278], %parallel_loop3A_275 {strides = array<i32>} : memref<2x32768xf32, #tpu.memory_space<vmem>>, vector<16xf32>,
      %parallel_loop3A_280 = arith.addf %parallel_loop3A_133, %parallel_loop3A_268 : vector<16xf32>
      %parallel_loop3A_281 = arith.constant 0 : i32
      %parallel_loop3A_282 = arith.index_cast %parallel_loop3A_281 : i32 to index
      %parallel_loop3A_283 = arith.index_cast %parallel_loop3A_107 : i32 to index
      %parallel_loop3A_284 = tpu.vector_load %arg4[%parallel_loop3A_282, %parallel_loop3A_283] {strides = array<i32>} : memref<2x32768xf32, #tpu.memory_space<vmem>>, vector<16xf32>,
      tpu.vector_store %arg4[%parallel_loop3A_282, %parallel_loop3A_283], %parallel_loop3A_280 {strides = array<i32>} : memref<2x32768xf32, #tpu.memory_space<vmem>>, vector<16xf32>,
      %parallel_loop3A_285 = arith.addf %parallel_loop3A_140, %parallel_loop3A_269 : vector<16xf32>
      %parallel_loop3A_286 = arith.constant 0 : i32
      %parallel_loop3A_287 = arith.index_cast %parallel_loop3A_286 : i32 to index
      %parallel_loop3A_288 = arith.index_cast %parallel_loop3A_109 : i32 to index
      %parallel_loop3A_289 = tpu.vector_load %arg4[%parallel_loop3A_287, %parallel_loop3A_288] {strides = array<i32>} : memref<2x32768xf32, #tpu.memory_space<vmem>>, vector<16xf32>,
      tpu.vector_store %arg4[%parallel_loop3A_287, %parallel_loop3A_288], %parallel_loop3A_285 {strides = array<i32>} : memref<2x32768xf32, #tpu.memory_space<vmem>>, vector<16xf32>,
      %parallel_loop3A_290 = arith.addf %parallel_loop3A_147, %parallel_loop3A_270 : vector<16xf32>
      %parallel_loop3A_291 = arith.constant 0 : i32
      %parallel_loop3A_292 = arith.index_cast %parallel_loop3A_291 : i32 to index
      %parallel_loop3A_293 = arith.index_cast %parallel_loop3A_111 : i32 to index
      %parallel_loop3A_294 = tpu.vector_load %arg4[%parallel_loop3A_292, %parallel_loop3A_293] {strides = array<i32>} : memref<2x32768xf32, #tpu.memory_space<vmem>>, vector<16xf32>,
      tpu.vector_store %arg4[%parallel_loop3A_292, %parallel_loop3A_293], %parallel_loop3A_290 {strides = array<i32>} : memref<2x32768xf32, #tpu.memory_space<vmem>>, vector<16xf32>,
      %parallel_loop3A_295 = arith.addf %parallel_loop3A_154, %parallel_loop3A_271 : vector<16xf32>
      %parallel_loop3A_296 = arith.constant 0 : i32
      %parallel_loop3A_297 = arith.index_cast %parallel_loop3A_296 : i32 to index
      %parallel_loop3A_298 = arith.index_cast %parallel_loop3A_113 : i32 to index
      %parallel_loop3A_299 = tpu.vector_load %arg4[%parallel_loop3A_297, %parallel_loop3A_298] {strides = array<i32>} : memref<2x32768xf32, #tpu.memory_space<vmem>>, vector<16xf32>,
      tpu.vector_store %arg4[%parallel_loop3A_297, %parallel_loop3A_298], %parallel_loop3A_295 {strides = array<i32>} : memref<2x32768xf32, #tpu.memory_space<vmem>>, vector<16xf32>,
      %parallel_loop3A_300 = arith.addf %parallel_loop3A_161, %parallel_loop3A_272 : vector<16xf32>
      %parallel_loop3A_301 = arith.constant 0 : i32
      %parallel_loop3A_302 = arith.index_cast %parallel_loop3A_301 : i32 to index
      %parallel_loop3A_303 = arith.index_cast %parallel_loop3A_115 : i32 to index
      %parallel_loop3A_304 = tpu.vector_load %arg4[%parallel_loop3A_302, %parallel_loop3A_303] {strides = array<i32>} : memref<2x32768xf32, #tpu.memory_space<vmem>>, vector<16xf32>,
      tpu.vector_store %arg4[%parallel_loop3A_302, %parallel_loop3A_303], %parallel_loop3A_300 {strides = array<i32>} : memref<2x32768xf32, #tpu.memory_space<vmem>>, vector<16xf32>,
      %parallel_loop3A_305 = arith.addf %parallel_loop3A_168, %parallel_loop3A_273 : vector<16xf32>
      %parallel_loop3A_306 = arith.constant 0 : i32
      %parallel_loop3A_307 = arith.index_cast %parallel_loop3A_306 : i32 to index
      %parallel_loop3A_308 = arith.index_cast %parallel_loop3A_117 : i32 to index
      %parallel_loop3A_309 = tpu.vector_load %arg4[%parallel_loop3A_307, %parallel_loop3A_308] {strides = array<i32>} : memref<2x32768xf32, #tpu.memory_space<vmem>>, vector<16xf32>,
      tpu.vector_store %arg4[%parallel_loop3A_307, %parallel_loop3A_308], %parallel_loop3A_305 {strides = array<i32>} : memref<2x32768xf32, #tpu.memory_space<vmem>>, vector<16xf32>,
      %parallel_loop3A_310 = arith.addf %parallel_loop3A_175, %parallel_loop3A_274 : vector<16xf32>
      %parallel_loop3A_311 = arith.constant 0 : i32
      %parallel_loop3A_312 = arith.index_cast %parallel_loop3A_311 : i32 to index
      %parallel_loop3A_313 = arith.index_cast %parallel_loop3A_119 : i32 to index
      %parallel_loop3A_314 = tpu.vector_load %arg4[%parallel_loop3A_312, %parallel_loop3A_313] {strides = array<i32>} : memref<2x32768xf32, #tpu.memory_space<vmem>>, vector<16xf32>,
      tpu.vector_store %arg4[%parallel_loop3A_312, %parallel_loop3A_313], %parallel_loop3A_310 {strides = array<i32>} : memref<2x32768xf32, #tpu.memory_space<vmem>>, vector<16xf32>,
      %parallel_loop3A_315 = arith.addf %parallel_loop3A_101, %parallel_loop3A_267 : vector<16xf32>
      scf.yield %parallel_loop3A_315 : vector<16xf32>
    } {sc.loop_unroll_factor = 1 : i64, sc.parallel_access}
    %mul3A_70 = arith.constant 1 : i32
    %mul3A_71 = arith.muli %add3A, %mul3A_70 : i32
    %add3A_72 = arith.constant 0 : i32
    %add3A_73 = arith.addi %mul3A_71, %add3A_72 : i32
    %dma_start3A_74 = arith.constant 0 : i32
    %dma_start3A_75 = arith.constant 0 : i32
    %dma_start3A_76 = tpu.memref_slice %arg4[%dma_start3A_74, %dma_start3A_75] : memref<2x32768xf32, #tpu.memory_space<vmem>> -> memref<1x32768xf32, #tpu.memory_space<vmem>>
    %dma_start3A_77 = tpu.memref_squeeze %dma_start3A_76 : memref<1x32768xf32, #tpu.memory_space<vmem>> -> memref<32768xf32, #tpu.memory_space<vmem>>
    %dma_start3A_78 = arith.constant 0 : i32
    %dma_start3A_79 = tpu.memref_slice %arg3[%add3A_73, %dma_start3A_78] : memref<32x32768xf32, #tpu.memory_space<hbm>> -> memref<1x32768xf32, #tpu.memory_space<hbm>>
    %dma_start3A_80 = tpu.memref_squeeze %dma_start3A_79 : memref<1x32768xf32, #tpu.memory_space<hbm>> -> memref<32768xf32, #tpu.memory_space<hbm>>
    %dma_start3A_81 = arith.constant 0 : i32
    %dma_start3A_82 = tpu.memref_slice %arg3[%add3A_73, %dma_start3A_81] : memref<32x32768xf32, #tpu.memory_space<hbm>> -> memref<1x32768xf32, #tpu.memory_space<hbm>>
    %dma_start3A_83 = tpu.memref_squeeze %dma_start3A_82 : memref<1x32768xf32, #tpu.memory_space<hbm>> -> memref<32768xf32, #tpu.memory_space<hbm>>
    %dma_start3A_84 = arith.constant 0 : i32
    %dma_start3A_85 = tpu.memref_slice %arg4[%dma_start3A_74, %dma_start3A_84] : memref<2x32768xf32, #tpu.memory_space<vmem>> -> memref<1x32768xf32, #tpu.memory_space<vmem>>
    %dma_start3A_86 = tpu.memref_squeeze %dma_start3A_85 : memref<1x32768xf32, #tpu.memory_space<vmem>> -> memref<32768xf32, #tpu.memory_space<vmem>>
    tpu.enqueue_dma source(%dma_start3A_86 : memref<32768xf32, #tpu.memory_space<vmem>>) target(%dma_start3A_83 : memref<32768xf32, #tpu.memory_space<hbm>>) target_semaphore(%arg7 : memref<!tpu.dma_semaphore, #tpu.memory_space<semaphore_mem>>)
    %dma_wait3A_87 = arith.constant 0 : i32
    %dma_wait3A_88 = arith.constant 0 : i32
    %dma_wait3A_89 = tpu.memref_slice %arg4[%dma_wait3A_87, %dma_wait3A_88] : memref<2x32768xf32, #tpu.memory_space<vmem>> -> memref<1x32768xf32, #tpu.memory_space<vmem>>
    %dma_wait3A_90 = tpu.memref_squeeze %dma_wait3A_89 : memref<1x32768xf32, #tpu.memory_space<vmem>> -> memref<32768xf32, #tpu.memory_space<vmem>>
    %dma_wait3A_91 = arith.constant 0 : i32
    %dma_wait3A_92 = tpu.memref_slice %arg3[%add3A_73, %dma_wait3A_91] : memref<32x32768xf32, #tpu.memory_space<hbm>> -> memref<1x32768xf32, #tpu.memory_space<hbm>>
    %dma_wait3A_93 = tpu.memref_squeeze %dma_wait3A_92 : memref<1x32768xf32, #tpu.memory_space<hbm>> -> memref<32768xf32, #tpu.memory_space<hbm>>
    %dma_wait3A_94 = arith.constant 0 : i32
    %dma_wait3A_95 = tpu.memref_slice %arg3[%add3A_73, %dma_wait3A_94] : memref<32x32768xf32, #tpu.memory_space<hbm>> -> memref<1x32768xf32, #tpu.memory_space<hbm>>
    %dma_wait3A_96 = tpu.memref_squeeze %dma_wait3A_95 : memref<1x32768xf32, #tpu.memory_space<hbm>> -> memref<32768xf32, #tpu.memory_space<hbm>>
    %dma_wait3A_97 = arith.constant 0 : i32
    %dma_wait3A_98 = tpu.memref_slice %arg4[%dma_wait3A_87, %dma_wait3A_97] : memref<2x32768xf32, #tpu.memory_space<vmem>> -> memref<1x32768xf32, #tpu.memory_space<vmem>>
    %dma_wait3A_99 = tpu.memref_squeeze %dma_wait3A_98 : memref<1x32768xf32, #tpu.memory_space<vmem>> -> memref<32768xf32, #tpu.memory_space<vmem>>
    tpu.wait_dma2 semaphore(%arg7 : memref<!tpu.dma_semaphore, #tpu.memory_space<semaphore_mem>>) src(%dma_wait3A_99 : memref<32768xf32, #tpu.memory_space<vmem>>) dst(%dma_wait3A_96 : memref<32768xf32, #tpu.memory_space<hbm>>)
    return
  }
}

module attributes {stable_mosaic.version = 14 : i64} {
  func.func @_tc_block_scan_kernel(%arg0: i32, %arg1: memref<96x2048xf32, #tpu.memory_space<vmem>>, %arg2: memref<128x128xf32, #tpu.memory_space<vmem>>, %arg3: memref<96x2048xf32, #tpu.memory_space<vmem>>, %arg4: memref<96x128xf32, #tpu.memory_space<vmem>>) attributes {dimension_semantics = [#tpu.dimension_semantics<arbitrary>], iteration_bounds = array<i64: 16>, scalar_prefetch = 0 : i64, scratch_operands = 1 : i64, tpu.core_type = #tpu.core_type<tc>, window_params = [{transform_indices = @transform_0, window_bounds = array<i64: 96, 2048>}, {pipeline_mode = #tpu.pipeline_mode<synchronous>, transform_indices = @transform_1, window_bounds = array<i64: 128, 128>}, {transform_indices = @transform_2, window_bounds = array<i64: 96, 2048>}]} {
    %eq3A = arith.constant 0 : i32
    %eq3A_0 = arith.cmpi eq, %arg0, %eq3A : i32
    %convert_element_type3A = arith.extui %eq3A_0 : i1 to i32
    %cond3A = arith.constant 0 : i32
    %cond3A_1 = arith.cmpi ne, %convert_element_type3A, %cond3A : i32
    scf.if %cond3A_1 {
      %broadcast_in_dim3A_123 = arith.constant 0.000000e+00 : f32
      %broadcast_in_dim3A_124 = vector.broadcast %broadcast_in_dim3A_123 : f32 to vector<96x128xf32>
      %swap3A_125 = arith.constant 0 : index
      %swap3A_126 = arith.constant 0 : index
      %swap3A_127 = vector.load %arg4[%swap3A_125, %swap3A_126] : memref<96x128xf32, #tpu.memory_space<vmem>>, vector<96x128xf32>
      tpu.vector_store %arg4[%swap3A_125, %swap3A_126], %broadcast_in_dim3A_124 {strides = array<i32>} : memref<96x128xf32, #tpu.memory_space<vmem>>, vector<96x128xf32>,
    } else {
    }
    %get3A = arith.constant 0 : index
    %get3A_2 = arith.constant 0 : index
    %get3A_3 = vector.load %arg1[%get3A, %get3A_2] : memref<96x2048xf32, #tpu.memory_space<vmem>>, vector<96x2048xf32>
    %get3A_4 = arith.constant 0 : index
    %get3A_5 = arith.constant 0 : index
    %get3A_6 = vector.load %arg2[%get3A_4, %get3A_5] : memref<128x128xf32, #tpu.memory_space<vmem>>, vector<128x128xf32>
    %get3A_7 = arith.constant 0 : index
    %get3A_8 = arith.constant 0 : index
    %get3A_9 = vector.load %arg4[%get3A_7, %get3A_8] : memref<96x128xf32, #tpu.memory_space<vmem>>, vector<96x128xf32>
    %slice3A = vector.extract_strided_slice %get3A_3 {offsets = [0, 0], sizes = [96, 128], strides = [1, 1]} : vector<96x2048xf32> to vector<96x128xf32>
    %dot_general3A = arith.constant dense<0.000000e+00> : vector<96x128xf32>
    %dot_general3A_10 = tpu.matmul %slice3A, %get3A_6, %dot_general3A {dimension_numbers = #tpu.dot_dimension_numbers<[1], [0], [0], [1], [0, 0, 1, 1], [], []>, transpose_lhs_hint = false} : vector<96x128xf32>, vector<128x128xf32>, vector<96x128xf32> -> vector<96x128xf32>
    %add3A = arith.addf %dot_general3A_10, %get3A_9 : vector<96x128xf32>
    %slice3A_11 = vector.extract_strided_slice %add3A {offsets = [0, 127], sizes = [96, 1], strides = [1, 1]} : vector<96x128xf32> to vector<96x1xf32>
    %broadcast_in_dim3A = vector.shape_cast %slice3A_11 : vector<96x1xf32> to vector<96x1xf32>
    %broadcast_in_dim3A_12 = vector.broadcast %broadcast_in_dim3A : vector<96x1xf32> to vector<96x128xf32>
    %slice3A_13 = vector.extract_strided_slice %get3A_3 {offsets = [0, 128], sizes = [96, 128], strides = [1, 1]} : vector<96x2048xf32> to vector<96x128xf32>
    %dot_general3A_14 = arith.constant dense<0.000000e+00> : vector<96x128xf32>
    %dot_general3A_15 = tpu.matmul %slice3A_13, %get3A_6, %dot_general3A_14 {dimension_numbers = #tpu.dot_dimension_numbers<[1], [0], [0], [1], [0, 0, 1, 1], [], []>, transpose_lhs_hint = false} : vector<96x128xf32>, vector<128x128xf32>, vector<96x128xf32> -> vector<96x128xf32>
    %add3A_16 = arith.addf %dot_general3A_15, %broadcast_in_dim3A_12 : vector<96x128xf32>
    %slice3A_17 = vector.extract_strided_slice %add3A_16 {offsets = [0, 127], sizes = [96, 1], strides = [1, 1]} : vector<96x128xf32> to vector<96x1xf32>
    %broadcast_in_dim3A_18 = vector.shape_cast %slice3A_17 : vector<96x1xf32> to vector<96x1xf32>
    %broadcast_in_dim3A_19 = vector.broadcast %broadcast_in_dim3A_18 : vector<96x1xf32> to vector<96x128xf32>
    %slice3A_20 = vector.extract_strided_slice %get3A_3 {offsets = [0, 256], sizes = [96, 128], strides = [1, 1]} : vector<96x2048xf32> to vector<96x128xf32>
    %dot_general3A_21 = arith.constant dense<0.000000e+00> : vector<96x128xf32>
    %dot_general3A_22 = tpu.matmul %slice3A_20, %get3A_6, %dot_general3A_21 {dimension_numbers = #tpu.dot_dimension_numbers<[1], [0], [0], [1], [0, 0, 1, 1], [], []>, transpose_lhs_hint = false} : vector<96x128xf32>, vector<128x128xf32>, vector<96x128xf32> -> vector<96x128xf32>
    %add3A_23 = arith.addf %dot_general3A_22, %broadcast_in_dim3A_19 : vector<96x128xf32>
    %slice3A_24 = vector.extract_strided_slice %add3A_23 {offsets = [0, 127], sizes = [96, 1], strides = [1, 1]} : vector<96x128xf32> to vector<96x1xf32>
    %broadcast_in_dim3A_25 = vector.shape_cast %slice3A_24 : vector<96x1xf32> to vector<96x1xf32>
    %broadcast_in_dim3A_26 = vector.broadcast %broadcast_in_dim3A_25 : vector<96x1xf32> to vector<96x128xf32>
    %slice3A_27 = vector.extract_strided_slice %get3A_3 {offsets = [0, 384], sizes = [96, 128], strides = [1, 1]} : vector<96x2048xf32> to vector<96x128xf32>
    %dot_general3A_28 = arith.constant dense<0.000000e+00> : vector<96x128xf32>
    %dot_general3A_29 = tpu.matmul %slice3A_27, %get3A_6, %dot_general3A_28 {dimension_numbers = #tpu.dot_dimension_numbers<[1], [0], [0], [1], [0, 0, 1, 1], [], []>, transpose_lhs_hint = false} : vector<96x128xf32>, vector<128x128xf32>, vector<96x128xf32> -> vector<96x128xf32>
    %add3A_30 = arith.addf %dot_general3A_29, %broadcast_in_dim3A_26 : vector<96x128xf32>
    %slice3A_31 = vector.extract_strided_slice %add3A_30 {offsets = [0, 127], sizes = [96, 1], strides = [1, 1]} : vector<96x128xf32> to vector<96x1xf32>
    %broadcast_in_dim3A_32 = vector.shape_cast %slice3A_31 : vector<96x1xf32> to vector<96x1xf32>
    %broadcast_in_dim3A_33 = vector.broadcast %broadcast_in_dim3A_32 : vector<96x1xf32> to vector<96x128xf32>
    %slice3A_34 = vector.extract_strided_slice %get3A_3 {offsets = [0, 512], sizes = [96, 128], strides = [1, 1]} : vector<96x2048xf32> to vector<96x128xf32>
    %dot_general3A_35 = arith.constant dense<0.000000e+00> : vector<96x128xf32>
    %dot_general3A_36 = tpu.matmul %slice3A_34, %get3A_6, %dot_general3A_35 {dimension_numbers = #tpu.dot_dimension_numbers<[1], [0], [0], [1], [0, 0, 1, 1], [], []>, transpose_lhs_hint = false} : vector<96x128xf32>, vector<128x128xf32>, vector<96x128xf32> -> vector<96x128xf32>
    %add3A_37 = arith.addf %dot_general3A_36, %broadcast_in_dim3A_33 : vector<96x128xf32>
    %slice3A_38 = vector.extract_strided_slice %add3A_37 {offsets = [0, 127], sizes = [96, 1], strides = [1, 1]} : vector<96x128xf32> to vector<96x1xf32>
    %broadcast_in_dim3A_39 = vector.shape_cast %slice3A_38 : vector<96x1xf32> to vector<96x1xf32>
    %broadcast_in_dim3A_40 = vector.broadcast %broadcast_in_dim3A_39 : vector<96x1xf32> to vector<96x128xf32>
    %slice3A_41 = vector.extract_strided_slice %get3A_3 {offsets = [0, 640], sizes = [96, 128], strides = [1, 1]} : vector<96x2048xf32> to vector<96x128xf32>
    %dot_general3A_42 = arith.constant dense<0.000000e+00> : vector<96x128xf32>
    %dot_general3A_43 = tpu.matmul %slice3A_41, %get3A_6, %dot_general3A_42 {dimension_numbers = #tpu.dot_dimension_numbers<[1], [0], [0], [1], [0, 0, 1, 1], [], []>, transpose_lhs_hint = false} : vector<96x128xf32>, vector<128x128xf32>, vector<96x128xf32> -> vector<96x128xf32>
    %add3A_44 = arith.addf %dot_general3A_43, %broadcast_in_dim3A_40 : vector<96x128xf32>
    %slice3A_45 = vector.extract_strided_slice %add3A_44 {offsets = [0, 127], sizes = [96, 1], strides = [1, 1]} : vector<96x128xf32> to vector<96x1xf32>
    %broadcast_in_dim3A_46 = vector.shape_cast %slice3A_45 : vector<96x1xf32> to vector<96x1xf32>
    %broadcast_in_dim3A_47 = vector.broadcast %broadcast_in_dim3A_46 : vector<96x1xf32> to vector<96x128xf32>
    %slice3A_48 = vector.extract_strided_slice %get3A_3 {offsets = [0, 768], sizes = [96, 128], strides = [1, 1]} : vector<96x2048xf32> to vector<96x128xf32>
    %dot_general3A_49 = arith.constant dense<0.000000e+00> : vector<96x128xf32>
    %dot_general3A_50 = tpu.matmul %slice3A_48, %get3A_6, %dot_general3A_49 {dimension_numbers = #tpu.dot_dimension_numbers<[1], [0], [0], [1], [0, 0, 1, 1], [], []>, transpose_lhs_hint = false} : vector<96x128xf32>, vector<128x128xf32>, vector<96x128xf32> -> vector<96x128xf32>
    %add3A_51 = arith.addf %dot_general3A_50, %broadcast_in_dim3A_47 : vector<96x128xf32>
    %slice3A_52 = vector.extract_strided_slice %add3A_51 {offsets = [0, 127], sizes = [96, 1], strides = [1, 1]} : vector<96x128xf32> to vector<96x1xf32>
    %broadcast_in_dim3A_53 = vector.shape_cast %slice3A_52 : vector<96x1xf32> to vector<96x1xf32>
    %broadcast_in_dim3A_54 = vector.broadcast %broadcast_in_dim3A_53 : vector<96x1xf32> to vector<96x128xf32>
    %slice3A_55 = vector.extract_strided_slice %get3A_3 {offsets = [0, 896], sizes = [96, 128], strides = [1, 1]} : vector<96x2048xf32> to vector<96x128xf32>
    %dot_general3A_56 = arith.constant dense<0.000000e+00> : vector<96x128xf32>
    %dot_general3A_57 = tpu.matmul %slice3A_55, %get3A_6, %dot_general3A_56 {dimension_numbers = #tpu.dot_dimension_numbers<[1], [0], [0], [1], [0, 0, 1, 1], [], []>, transpose_lhs_hint = false} : vector<96x128xf32>, vector<128x128xf32>, vector<96x128xf32> -> vector<96x128xf32>
    %add3A_58 = arith.addf %dot_general3A_57, %broadcast_in_dim3A_54 : vector<96x128xf32>
    %slice3A_59 = vector.extract_strided_slice %add3A_58 {offsets = [0, 127], sizes = [96, 1], strides = [1, 1]} : vector<96x128xf32> to vector<96x1xf32>
    %broadcast_in_dim3A_60 = vector.shape_cast %slice3A_59 : vector<96x1xf32> to vector<96x1xf32>
    %broadcast_in_dim3A_61 = vector.broadcast %broadcast_in_dim3A_60 : vector<96x1xf32> to vector<96x128xf32>
    %slice3A_62 = vector.extract_strided_slice %get3A_3 {offsets = [0, 1024], sizes = [96, 128], strides = [1, 1]} : vector<96x2048xf32> to vector<96x128xf32>
    %dot_general3A_63 = arith.constant dense<0.000000e+00> : vector<96x128xf32>
    %dot_general3A_64 = tpu.matmul %slice3A_62, %get3A_6, %dot_general3A_63 {dimension_numbers = #tpu.dot_dimension_numbers<[1], [0], [0], [1], [0, 0, 1, 1], [], []>, transpose_lhs_hint = false} : vector<96x128xf32>, vector<128x128xf32>, vector<96x128xf32> -> vector<96x128xf32>
    %add3A_65 = arith.addf %dot_general3A_64, %broadcast_in_dim3A_61 : vector<96x128xf32>
    %slice3A_66 = vector.extract_strided_slice %add3A_65 {offsets = [0, 127], sizes = [96, 1], strides = [1, 1]} : vector<96x128xf32> to vector<96x1xf32>
    %broadcast_in_dim3A_67 = vector.shape_cast %slice3A_66 : vector<96x1xf32> to vector<96x1xf32>
    %broadcast_in_dim3A_68 = vector.broadcast %broadcast_in_dim3A_67 : vector<96x1xf32> to vector<96x128xf32>
    %slice3A_69 = vector.extract_strided_slice %get3A_3 {offsets = [0, 1152], sizes = [96, 128], strides = [1, 1]} : vector<96x2048xf32> to vector<96x128xf32>
    %dot_general3A_70 = arith.constant dense<0.000000e+00> : vector<96x128xf32>
    %dot_general3A_71 = tpu.matmul %slice3A_69, %get3A_6, %dot_general3A_70 {dimension_numbers = #tpu.dot_dimension_numbers<[1], [0], [0], [1], [0, 0, 1, 1], [], []>, transpose_lhs_hint = false} : vector<96x128xf32>, vector<128x128xf32>, vector<96x128xf32> -> vector<96x128xf32>
    %add3A_72 = arith.addf %dot_general3A_71, %broadcast_in_dim3A_68 : vector<96x128xf32>
    %slice3A_73 = vector.extract_strided_slice %add3A_72 {offsets = [0, 127], sizes = [96, 1], strides = [1, 1]} : vector<96x128xf32> to vector<96x1xf32>
    %broadcast_in_dim3A_74 = vector.shape_cast %slice3A_73 : vector<96x1xf32> to vector<96x1xf32>
    %broadcast_in_dim3A_75 = vector.broadcast %broadcast_in_dim3A_74 : vector<96x1xf32> to vector<96x128xf32>
    %slice3A_76 = vector.extract_strided_slice %get3A_3 {offsets = [0, 1280], sizes = [96, 128], strides = [1, 1]} : vector<96x2048xf32> to vector<96x128xf32>
    %dot_general3A_77 = arith.constant dense<0.000000e+00> : vector<96x128xf32>
    %dot_general3A_78 = tpu.matmul %slice3A_76, %get3A_6, %dot_general3A_77 {dimension_numbers = #tpu.dot_dimension_numbers<[1], [0], [0], [1], [0, 0, 1, 1], [], []>, transpose_lhs_hint = false} : vector<96x128xf32>, vector<128x128xf32>, vector<96x128xf32> -> vector<96x128xf32>
    %add3A_79 = arith.addf %dot_general3A_78, %broadcast_in_dim3A_75 : vector<96x128xf32>
    %slice3A_80 = vector.extract_strided_slice %add3A_79 {offsets = [0, 127], sizes = [96, 1], strides = [1, 1]} : vector<96x128xf32> to vector<96x1xf32>
    %broadcast_in_dim3A_81 = vector.shape_cast %slice3A_80 : vector<96x1xf32> to vector<96x1xf32>
    %broadcast_in_dim3A_82 = vector.broadcast %broadcast_in_dim3A_81 : vector<96x1xf32> to vector<96x128xf32>
    %slice3A_83 = vector.extract_strided_slice %get3A_3 {offsets = [0, 1408], sizes = [96, 128], strides = [1, 1]} : vector<96x2048xf32> to vector<96x128xf32>
    %dot_general3A_84 = arith.constant dense<0.000000e+00> : vector<96x128xf32>
    %dot_general3A_85 = tpu.matmul %slice3A_83, %get3A_6, %dot_general3A_84 {dimension_numbers = #tpu.dot_dimension_numbers<[1], [0], [0], [1], [0, 0, 1, 1], [], []>, transpose_lhs_hint = false} : vector<96x128xf32>, vector<128x128xf32>, vector<96x128xf32> -> vector<96x128xf32>
    %add3A_86 = arith.addf %dot_general3A_85, %broadcast_in_dim3A_82 : vector<96x128xf32>
    %slice3A_87 = vector.extract_strided_slice %add3A_86 {offsets = [0, 127], sizes = [96, 1], strides = [1, 1]} : vector<96x128xf32> to vector<96x1xf32>
    %broadcast_in_dim3A_88 = vector.shape_cast %slice3A_87 : vector<96x1xf32> to vector<96x1xf32>
    %broadcast_in_dim3A_89 = vector.broadcast %broadcast_in_dim3A_88 : vector<96x1xf32> to vector<96x128xf32>
    %slice3A_90 = vector.extract_strided_slice %get3A_3 {offsets = [0, 1536], sizes = [96, 128], strides = [1, 1]} : vector<96x2048xf32> to vector<96x128xf32>
    %dot_general3A_91 = arith.constant dense<0.000000e+00> : vector<96x128xf32>
    %dot_general3A_92 = tpu.matmul %slice3A_90, %get3A_6, %dot_general3A_91 {dimension_numbers = #tpu.dot_dimension_numbers<[1], [0], [0], [1], [0, 0, 1, 1], [], []>, transpose_lhs_hint = false} : vector<96x128xf32>, vector<128x128xf32>, vector<96x128xf32> -> vector<96x128xf32>
    %add3A_93 = arith.addf %dot_general3A_92, %broadcast_in_dim3A_89 : vector<96x128xf32>
    %slice3A_94 = vector.extract_strided_slice %add3A_93 {offsets = [0, 127], sizes = [96, 1], strides = [1, 1]} : vector<96x128xf32> to vector<96x1xf32>
    %broadcast_in_dim3A_95 = vector.shape_cast %slice3A_94 : vector<96x1xf32> to vector<96x1xf32>
    %broadcast_in_dim3A_96 = vector.broadcast %broadcast_in_dim3A_95 : vector<96x1xf32> to vector<96x128xf32>
    %slice3A_97 = vector.extract_strided_slice %get3A_3 {offsets = [0, 1664], sizes = [96, 128], strides = [1, 1]} : vector<96x2048xf32> to vector<96x128xf32>
    %dot_general3A_98 = arith.constant dense<0.000000e+00> : vector<96x128xf32>
    %dot_general3A_99 = tpu.matmul %slice3A_97, %get3A_6, %dot_general3A_98 {dimension_numbers = #tpu.dot_dimension_numbers<[1], [0], [0], [1], [0, 0, 1, 1], [], []>, transpose_lhs_hint = false} : vector<96x128xf32>, vector<128x128xf32>, vector<96x128xf32> -> vector<96x128xf32>
    %add3A_100 = arith.addf %dot_general3A_99, %broadcast_in_dim3A_96 : vector<96x128xf32>
    %slice3A_101 = vector.extract_strided_slice %add3A_100 {offsets = [0, 127], sizes = [96, 1], strides = [1, 1]} : vector<96x128xf32> to vector<96x1xf32>
    %broadcast_in_dim3A_102 = vector.shape_cast %slice3A_101 : vector<96x1xf32> to vector<96x1xf32>
    %broadcast_in_dim3A_103 = vector.broadcast %broadcast_in_dim3A_102 : vector<96x1xf32> to vector<96x128xf32>
    %slice3A_104 = vector.extract_strided_slice %get3A_3 {offsets = [0, 1792], sizes = [96, 128], strides = [1, 1]} : vector<96x2048xf32> to vector<96x128xf32>
    %dot_general3A_105 = arith.constant dense<0.000000e+00> : vector<96x128xf32>
    %dot_general3A_106 = tpu.matmul %slice3A_104, %get3A_6, %dot_general3A_105 {dimension_numbers = #tpu.dot_dimension_numbers<[1], [0], [0], [1], [0, 0, 1, 1], [], []>, transpose_lhs_hint = false} : vector<96x128xf32>, vector<128x128xf32>, vector<96x128xf32> -> vector<96x128xf32>
    %add3A_107 = arith.addf %dot_general3A_106, %broadcast_in_dim3A_103 : vector<96x128xf32>
    %slice3A_108 = vector.extract_strided_slice %add3A_107 {offsets = [0, 127], sizes = [96, 1], strides = [1, 1]} : vector<96x128xf32> to vector<96x1xf32>
    %broadcast_in_dim3A_109 = vector.shape_cast %slice3A_108 : vector<96x1xf32> to vector<96x1xf32>
    %broadcast_in_dim3A_110 = vector.broadcast %broadcast_in_dim3A_109 : vector<96x1xf32> to vector<96x128xf32>
    %slice3A_111 = vector.extract_strided_slice %get3A_3 {offsets = [0, 1920], sizes = [96, 128], strides = [1, 1]} : vector<96x2048xf32> to vector<96x128xf32>
    %dot_general3A_112 = arith.constant dense<0.000000e+00> : vector<96x128xf32>
    %dot_general3A_113 = tpu.matmul %slice3A_111, %get3A_6, %dot_general3A_112 {dimension_numbers = #tpu.dot_dimension_numbers<[1], [0], [0], [1], [0, 0, 1, 1], [], []>, transpose_lhs_hint = false} : vector<96x128xf32>, vector<128x128xf32>, vector<96x128xf32> -> vector<96x128xf32>
    %add3A_114 = arith.addf %dot_general3A_113, %broadcast_in_dim3A_110 : vector<96x128xf32>
    %slice3A_115 = vector.extract_strided_slice %add3A_114 {offsets = [0, 127], sizes = [96, 1], strides = [1, 1]} : vector<96x128xf32> to vector<96x1xf32>
    %broadcast_in_dim3A_116 = vector.shape_cast %slice3A_115 : vector<96x1xf32> to vector<96x1xf32>
    %broadcast_in_dim3A_117 = vector.broadcast %broadcast_in_dim3A_116 : vector<96x1xf32> to vector<96x128xf32>
    %concatenate3A = tpu.concatenate %add3A, %add3A_16, %add3A_23, %add3A_30, %add3A_37, %add3A_44, %add3A_51, %add3A_58, %add3A_65, %add3A_72, %add3A_79, %add3A_86, %add3A_93, %add3A_100, %add3A_107, %add3A_114 in 1 : vector<96x128xf32>, vector<96x128xf32>, vector<96x128xf32>, vector<96x128xf32>, vector<96x128xf32>, vector<96x128xf32>, vector<96x128xf32>, vector<96x128xf32>, vector<96x128xf32>, vector<96x128xf32>, vector<96x128xf32>, vector<96x128xf32>, vector<96x128xf32>, vector<96x128xf32>, vector<96x128xf32>, vector<96x128xf32> -> vector<96x2048xf32>
    %swap3A = arith.constant 0 : index
    %swap3A_118 = arith.constant 0 : index
    %swap3A_119 = vector.load %arg3[%swap3A, %swap3A_118] : memref<96x2048xf32, #tpu.memory_space<vmem>>, vector<96x2048xf32>
    tpu.vector_store %arg3[%swap3A, %swap3A_118], %concatenate3A {strides = array<i32>} : memref<96x2048xf32, #tpu.memory_space<vmem>>, vector<96x2048xf32>,
    %swap3A_120 = arith.constant 0 : index
    %swap3A_121 = arith.constant 0 : index
    %swap3A_122 = vector.load %arg4[%swap3A_120, %swap3A_121] : memref<96x128xf32, #tpu.memory_space<vmem>>, vector<96x128xf32>
    tpu.vector_store %arg4[%swap3A_120, %swap3A_121], %broadcast_in_dim3A_117 {strides = array<i32>} : memref<96x128xf32, #tpu.memory_space<vmem>>, vector<96x128xf32>,
    return
  }
  func.func @transform_0(%arg0: i32) -> (i32, i32) {
    %c0_i32 = arith.constant 0 : i32
    %c0_i32_0 = arith.constant 0 : i32
    return %c0_i32, %arg0 : i32, i32
  }
  func.func @transform_1(%arg0: i32) -> (i32, i32) {
    %c0_i32 = arith.constant 0 : i32
    %c0_i32_0 = arith.constant 0 : i32
    %c0_i32_1 = arith.constant 0 : i32
    return %c0_i32, %c0_i32_0 : i32, i32
  }
  func.func @transform_2(%arg0: i32) -> (i32, i32) {
    %c0_i32 = arith.constant 0 : i32
    %c0_i32_0 = arith.constant 0 : i32
    return %c0_i32, %arg0 : i32, i32
  }
}

</mosaic_0001>

<sc_bundles>
// kernel: kernel.4.cloned.1.call-start
scs
__scs_entry_jumppad:
0x0: {  	(pc) =	sbr.rel $0x88, $3  }
0x1: {  	(tag) =	ssettag $0x0;
	lr =	simm.s32 $0x1  }
0x2: {  	[smem:$0x3FA0] =	sst lr;
	_ =	strace $0xD0000000  }
0x3: {  	_ = 	snop  }
0x4: {  	_ = 	snop  }
0x5: {  	_ = 	snop  }
0x6: {  	_ = 	snop  }
0x7: {  	_ = 	snop  }
__scs_overlays_trampoline_lowered:
0x8: {  	[smem:$0x3FAF] =	sst s0  }
0x9: {  	[smem:$0x3FB0] =	sst s1  }
0xa: {  	[smem:$0x3FB1] =	sst s2  }
0xb: {  	[smem:$0x3FB2] =	sst s3  }
0xc: {  	[smem:$0x3FB3] =	sst s4  }
0xd: {  	[smem:$0x3FB4] =	sst s5  }
0xe: {  	[smem:$0x3FB5] =	sst s6  }
0xf: {  	[smem:$0x3FB6] =	sst s7  }
0x10: {  	[smem:$0x3FB7] =	sst s8  }
0x11: {  	[smem:$0x3FB8] =	sst s9;
	s0 =	simm.s32 @!p0 $0x0  }
0x12: {  	s1 =	sld [smem:$0x3F9E];
	s0 =	simm.s32 @p0 $0x1  }
0x13: {  	[smem:$0x3FB9] =	sst s0;
	s0 =	simm.s32 @!p1 $0x0  }
0x14: {  	s2 =	sld [smem:$0x3F9D];
	s0 =	simm.s32 @p1 $0x1  }
0x15: {  	[smem:$0x3FBA] =	sst s0;
	s0 =	simm.s32 @!p2 $0x0  }
0x16: {  	s3 =	sld [smem:$0x3FDB];
	s0 =	simm.s32 @p2 $0x1  }
0x17: {  	s4 =	simm.s32 $0x1BF5;
	[smem:$0x3FBC] =	sst s0  }
0x18: {  	s0 =	sld [smem:$0x3F9F];
	_ =	swait.ge [sflag:s4], $0x0  }
0x19: {  	s7 =	sld [smem:$0x3FA0]  }
0x1a: {  	s8 =	sadd.s32 $0xFFFFE003, lr  }
0x1b: {  	s9 =	sadd.s32 $0xFFFFFEF7, lr;
	s5 =	simm.s32 $0xFFFFFFFF;
	p2 =	slt.u32 s8, $0xFFFFF086  }
0x1c: {  	p1 =	slt.u32 s9, $0xF7A;
	s5 =	simm.s32 @!p2 $0x0  }
0x1d: {  	s5 =	simm.s32 @p1 $0x1;
	p0 =	seq.s32 s7, s2  }
0x1e: {  	s7 =	smul.u32 @!p0 $0xF7A, s2;
	p2 =	seq.s32 @!p0 s5, $0x0  }
0x1f: {  	s9 =	smul.u32 $0xF7A, s1;
	s8 =	simm.s32 @!p0 $0x1BF5;
	p2 =	por !p2, p0  }
0x20: {  	[sflag:s8] =	ssyncset.s32 @!p0 $0xFFFFF086;
	s6 =	sadd.s32 @!p0 s3, s7;
	s7 =	simm.s32 @!p0 $0x108  }
0x21: {  	s3 =	sadd.s32 s3, s9;
	s6 =	sadd.s32 @!p0 $0x88, s6;
	s7 =	simm.s32 @p2 $0x1082  }
0x22: {  	[simem:s7], [sflag:s8] =	dma.local @!p0 [hbm:s6], $0xF7A  }
0x23: {  	s9 =	sor.u32 $0xD0000000, s2;
	s6 =	simm.s32 $0x108;
	_ =	swait.ge @!p0 [sflag:s8], $0x0  }
0x24: {  	s3 =	sadd.s32 $0x88, s3;
	s6 =	simm.s32 @!p1 $0x1082;
	[sflag:s4] =	ssyncset.s32 $0xFFFFF086  }
0x25: {  	[simem:s6], [sflag:s4] =	dma.local [hbm:s3], $0xF7A  }
0x26: {  	[smem:$0x3FA0] =	sst s1;
	(tag) =	ssettag s2;
	_ =	strace s9  }
0x27: {  	s1 =	sld [smem:$0x3FB0]  }
0x28: {  	s2 =	sld [smem:$0x3FB1]  }
0x29: {  	s4 =	sld [smem:$0x3FB3]  }
0x2a: {  	p0 =	seq.s32 s5, $0x0;
	s5 =	sld [smem:$0x3FB4]  }
0x2b: {  	s6 =	sld [smem:$0x3FB5]  }
0x2c: {  	s7 =	sld [smem:$0x3FB6]  }
0x2d: {  	s3 =	simm.s32 $0x108;
	s8 =	sld [smem:$0x3FB7]  }
0x2e: {  	s3 =	simm.s32 @!p0 $0x1082;
	s9 =	sld [smem:$0x3FB8]  }
0x2f: {  	lr =	sadd.s32 s0, s3;
	s0 =	sld [smem:$0x3FAF]  }
0x30: {  	s3 =	sld [smem:$0x3FB2]  }
0x31: {  	[smem:$0x3FBB] =	sst s10  }
0x32: {  	s10 =	sld [smem:$0x3FB9];
	_ =	sdelay $0x3  }
0x33: {  	p0 =	seq.s32 s10, $0x1;
	s10 =	sld [smem:$0x3FBB];
	_ =	sdelay $0x3  }
0x34: {  	[smem:$0x3FBB] =	sst s10  }
0x35: {  	s10 =	sld [smem:$0x3FBA];
	_ =	sdelay $0x3  }
0x36: {  	p1 =	seq.s32 s10, $0x1;
	s10 =	sld [smem:$0x3FBB];
	_ =	sdelay $0x3  }
0x37: {  	[smem:$0x3FBB] =	sst s10  }
0x38: {  	s10 =	sld [smem:$0x3FBC]  }
0x39: {  	_ = 	snop;
	(pc) =	sbr.ind lr, $3  }
0x3a: {  	_ = 	snop  }
0x3b: {  	_ = 	snop  }
0x3c: {  	p2 =	seq.s32 s10, $0x1;
	s10 =	sld [smem:$0x3FBB]  }
0x3d: {  	_ =	shalt  }
0x3e: {  	_ =	shalt  }
0x3f: {  	_ =	shalt  }
0x40: {  	_ =	shalt  }
0x41: {  	_ =	shalt  }
0x42: {  	_ =	shalt  }
0x43: {  	_ =	shalt  }
0x44: {  	_ =	shalt  }
0x45: {  	_ =	shalt  }
0x46: {  	_ =	shalt  }
0x47: {  	_ =	shalt  }
0x48: {  	_ =	shalt  }
0x49: {  	_ =	shalt  }
0x4a: {  	_ =	shalt  }
0x4b: {  	_ =	shalt  }
0x4c: {  	_ =	shalt  }
0x4d: {  	_ =	shalt  }
0x4e: {  	_ =	shalt  }
0x4f: {  	_ =	shalt  }
0x50: {  	_ =	shalt  }
0x51: {  	_ =	shalt  }
0x52: {  	_ =	shalt  }
0x53: {  	_ =	shalt  }
0x54: {  	_ =	shalt  }
0x55: {  	_ =	shalt  }
0x56: {  	_ =	shalt  }
0x57: {  	_ =	shalt  }
0x58: {  	_ =	shalt  }
0x59: {  	_ =	shalt  }
0x5a: {  	_ =	shalt  }
0x5b: {  	_ =	shalt  }
0x5c: {  	_ =	shalt  }
0x5d: {  	_ =	shalt  }
0x5e: {  	_ =	shalt  }
0x5f: {  	_ =	shalt  }
0x60: {  	_ =	shalt  }
0x61: {  	_ =	shalt  }
0x62: {  	_ =	shalt  }
0x63: {  	_ =	shalt  }
0x64: {  	_ =	shalt  }
0x65: {  	_ =	shalt  }
0x66: {  	_ =	shalt  }
0x67: {  	_ =	shalt  }
0x68: {  	_ =	shalt  }
0x69: {  	_ =	shalt  }
0x6a: {  	_ =	shalt  }
0x6b: {  	_ =	shalt  }
0x6c: {  	_ =	shalt  }
0x6d: {  	_ =	shalt  }
0x6e: {  	_ =	shalt  }
0x6f: {  	_ =	shalt  }
0x70: {  	_ =	shalt  }
0x71: {  	_ =	shalt  }
0x72: {  	_ =	shalt  }
0x73: {  	_ =	shalt  }
0x74: {  	_ =	shalt  }
0x75: {  	_ =	shalt  }
0x76: {  	_ =	shalt  }
0x77: {  	_ =	shalt  }
0x78: {  	_ =	shalt  }
0x79: {  	_ =	shalt  }
0x7a: {  	_ =	shalt  }
0x7b: {  	_ =	shalt  }
0x7c: {  	_ =	shalt  }
0x7d: {  	_ =	shalt  }
0x7e: {  	_ =	shalt  }
0x7f: {  	_ =	shalt  }
0x80: {  	_ =	shalt  }
0x81: {  	_ =	shalt  }
0x82: {  	_ =	shalt  }
0x83: {  	_ =	shalt  }
0x84: {  	_ =	shalt  }
0x85: {  	_ =	shalt  }
0x86: {  	_ =	shalt  }
0x87: {  	_ =	shalt  }
.Lfunc_end0:
.L_simem_size_0:
called_computation_lowered:
.L_overlay_start_0:
0x88: {  	s2 =	sld [smem:$0x3FD9]  }
0x89: {  	s3 =	sld [smem:$0x3FFE];
	_ =	sdelay $0x1  }
0x8a: {  	s1 =	srdreg.scid  }
0x8b: {  	s0 =	sand.u32 $0x1, s1  }
0x8c: {  	s17 =	sshll.u32 s0, $0xA;
	s2 =	sadd.s32 s3, s2  }
0x8d: {  	s2 =	sadd.s32 s2, s17  }
0x8e: {  	[smem:$0x3FC7] =	sst s2  }
0x8f: {  	_ = 	snop  }
0x90: {  	s2 =	sld [smem:$0x3FC9];
	(tm) =	ssettm $0x1  }
0x91: {  	s18 =	sld [smem:$0x3FFB];
	_ =	sdelay $0x3  }
0x92: {  	_ =	strace s18  }
0x93: {  	s3 =	sld [smem:$0x3FFC];
	_ =	sdelay $0x3  }
0x94: {  	_ =	strace s3  }
0x95: {  	s3 =	sld [smem:$0x3FFD];
	_ =	sdelay $0x3  }
0x96: {  	_ =	strace s3  }
0x97: {  	_ =	strace $0x8FFFFFFF  }
0x98: {  	s19 =	sld [smem:$0x3FDB];
	_ =	sdelay $0x1  }
0x99: {  	s4 =	simm.s32 $_scs_section_size  }
0x9a: {  	s5 =	simm.s32 $_size__tile_overlayer_lowered;
	s6 =	simm.s32 $_tile_overlayer_lowered  }
0x9b: {  	s22 =	simm.s32 $0x1BFF;
	s21 =	sshll.u32 s6, $0x1;
	s3 =	sadd.s32 s4, s19  }
0x9c: {  	s7 =	simm.s32 $0x0;
	s20 =	sshll.u32 s5, $0x1;
	s5 =	sadd.s32 s21, s3  }
0x9d: {  	[timem:s7], [sflag:s22] =	dma.local [hbm:s5], s20  }
0x9e: {  	_ =	swait.ge [sflag:s22], s20  }
0x9f: {  	s4 =	ssub.s32 $0x0, s20;
	[sflag:s22] =	ssyncset.done $0x0  }
0xa0: {  	[sflag:s22] =	ssyncadd.s32 s4;
	_ =	sdelay $0x1  }
0xa1: {  	s23 =	simm.s32 $0x1B8B  }
0xa2: {  	_ =	swait.ge [sflag:s23], $0x1  }
0xa3: {  	[sflag:s23] =	ssyncset.done $0x0  }
0xa4: {  	s25 =	simm.s32 $0x1B8E;
	s24 =	sld [smem:$0x3FFE];
	[sflag:s23] =	ssyncadd.s32 $0xFFFFFFFF  }
0xa5: {  	s26 =	simm.s32 $execute0_lowered;
	[smem:$0x3FD2] =	sst s25  }
0xa6: {  	s5 =	sshll.u32 s26, $0x1;
	_ =	strace $0x80000046;
	[dreg:$0x1] =	wrdreg $0xFFFFFFFF  }
0xa7: {  	s28 =	simm.s32 $_size_execute0_lowered;
	s3 =	sadd.s32 s3, s5;
	[dreg:$0x0] =	wrdreg $0x0  }
0xa8: {  	s5 =	sshll.u32 s28, $0x1;
	[dreg:$0x2] =	wrdreg s3  }
0xa9: {  	[dreg:$0x3] =	wrdreg s5  }
0xaa: {  	[dreg:$0x4] =	wrdreg $0xC0  }
0xab: {  	_ =	task [dreg:s7], $0x5FFFF  }
0xac: {  	[dreg:$0x1] =	wrdreg $0xFFFFFFFF  }
0xad: {  	[dreg:$0x0] =	wrdreg $0x60  }
0xae: {  	[dreg:$0x2] =	wrdreg s2  }
0xaf: {  	[dreg:$0x3] =	wrdreg s24  }
0xb0: {  	[dreg:$0x4] =	wrdreg $0x9  }
0xb1: {  	_ =	task.clear_ibuf [dreg:s7], $0x5FFFF;
	_ =	strace $0x90000046  }
0xb2: {  	s29 =	simm.s32 $0x9;
	_ =	strace $0x80000048  }
0xb3: {  	_ =	swait.ge [sflag:s29], $0x1  }
0xb4: {  	[sflag:s29] =	ssyncadd.s32 $0xFFFFFFFF  }
0xb5: {  	_ =	strace $0x90000048  }
0xb6: {  	_ =	sfence  }
0xb7: {  	s30 =	sld [smem:$0x0];
	_ =	sdelay $0x2  }
0xb8: {  	s31 =	sshll.u32 s1, $0xD;
	s1 =	sshrl.u32 s1, $0x2  }
0xb9: {  	s3 =	sand.u32 $0x4000, s31;
	s1 =	sadd.s32 s1, s30  }
0xba: {  	s0 =	sor.u32 s3, s0;
	s1 =	sshll.u32 s1, $0x11  }
0xbb: {  	s0 =	sor.u32 s1, s0  }
0xbc: {  	s0 =	sadd.s32 $0x8F2B, s0  }
0xbd: {  	[sflag:s0] =	ssyncadd.remote.s32 $0x1  }
0xbe: {  	_ =	sfence.sel $0xFFFF  }
0xbf: {  	[dreg:$0x0] =	wrdreg $0xFFFFFFFF;
	(pc) =	sbr.abs _section_cstart, $3  }
0xc0: {  	[dreg:$0x1] =	wrdreg $0xFFFFFFFF  }
0xc1: {  	_ =	task.clear_ibuf [dreg:s7], $0x2FFFF;
	_ =	strace $0x9FFFFFFF  }
0xc2: {  	(tm) =	ssettm $0x7FFFFFFF  }
0xc3: {  	_ =	shalt  }
tec
execute0_lowered:
.L_overlay_start_1:
0x0: {  	(tag) =	ssettag $0x1  }
0x1: {  	s3 =	rddreg [dreg:$0x0]  }
0x2: {  	s4 =	rddreg [dreg:$0x1]  }
0x3: {  	s0 =	rddreg [dreg:$0x2]  }
0x4: {  	s2 =	simm.s32 $0x0;
	s5 =	srdreg.scid;
	s1 =	stileid.u32  }
0x5: {  	[smem:$0x7FF] =	sst s2;
	s5 =	sand.u32 $0x1, s5;
	s6 =	sshll.u32 s1, $0x5  }
0x6: {  	s7 =	sshll.u32 s1, $0xD;
	s8 =	sshll.u32 s5, $0x4;
	s6 =	sand.u32 $0x60, s6  }
0x7: {  	s7 =	sand.u32 $0x18000, s7;
	s5 =	ssub.s32 $0x2, s5;
	_ =	strace $0x80000047  }
0x8: {  	s6 =	sor.u32 s8, s6;
	s31 =	sshrl.u32 s5, $0x1;
	s8 =	simm.s32 $0x0  }
0x9: {  	s6 =	sor.u32 s7, s6;
	s5 =	ssub.s32 s5, s31;
	s7 =	simm.s32 $0x2  }
0xa: {  	s4 =	sadd.s32 s6, s4;
	s3 =	sadd.s32 s6, s3;
	s5 =	smax.u32 s5, $0x1  }
0xb: {  	v0 =	vimm.s32 $0xF;
	s6 =	simm.s32 $0x1;
	s3 =	sadd.s32 $0x60000, s3;
	s4 =	sadd.s32 $0x600, s4  }
.LBB2_1:
0xc: {  	s9 =	simm.s32 $0x80  }
0xd: {  	s12 =	sadd.s32 $0x0, s3;
	s10 =	simm.s32 $0x100;
	s11 =	simm.s32 $0x0  }
.LBB2_2:
0xe: {  	[tilespmem:s11], [sflag:$0x1] =	stream.linear.gather [hbm4b:s12+s2], $0x80, $0x38;
	[tilespmem:$0x10000] =	vst v63  }
0xf: {  	s12 =	smov.u32 s9;
	s11 =	smov.u32 s10;
	p0 =	sne.s32 s9, $0x7F80  }
.Ltmp0:
0x10: {  	s9 =	sadd.s32 $0x80, s9;
	(pc) =	sbr.rel @p0 .LBB2_2-.Ltmp0, $2  }
0x11: {  	_ =	sdelay $0x2  }
0x12: {  	s10 =	sadd.s32 $0x100, s10;
	s12 =	sadd.s32 s12, s3  }
0x13: {  	[tilespmem:s11], [sflag:$0x1] =	stream.linear.gather [hbm4b:s12+s2], $0x80, $0x38;
	[tilespmem:$0x10000] =	vst v63  }
0x14: {  	_ =	swait.ge [sflag:s6], $0x8000  }
0x15: {  	[sflag:s6] =	ssyncset.done $0x0  }
0x16: {  	s10 =	simm.s32 $0x0;
	[sflag:s6] =	ssyncadd.s32 $0xFFFF8000  }
0x17: {  	v1 =	vld [tilespmem:s10+$0x60]  }
0x18: {  	v2 =	vld [tilespmem:s10+$0x0]  }
0x19: {  	v3 =	vld [tilespmem:s10+$0x10]  }
0x1a: {  	v4 =	vld [tilespmem:s10+$0x20];
	_ =	sdelay $0x1  }
0x1b: {  	v5 =	vld [tilespmem:s10+$0x30];
	(xrf2) =	vadd.scan.msk.f32 $0xffff, v1  }
0x1c: {  	v1 =	vld [tilespmem:s10+$0x40];
	(xrf2) =	vadd.scan.msk.f32 $0xffff, v2  }
0x1d: {  	v2 =	vld [tilespmem:s10+$0x50];
	(xrf2) =	vadd.scan.msk.f32 $0xffff, v3  }
0x1e: {  	(xrf2) =	vadd.scan.msk.f32 $0xffff, v4;
	_ =	sdelay $0x1  }
0x1f: {  	(xrf2) =	vadd.scan.msk.f32 $0xffff, v5  }
0x20: {  	(xrf2) =	vadd.scan.msk.f32 $0xffff, v1  }
0x21: {  	s9 =	simm.s32 $0x100;
	(xrf2) =	vadd.scan.msk.f32 $0xffff, v2;
	v2 =	vld [tilespmem:s10+$0x70]  }
0x22: {  	v4 =	vld [tilespmem:s9+$0x60];
	_ =	sdelay $0x1  }
0x23: {  	v5, _, _ =	vpop (xrf2)  }
0x24: {  	v1, _, _ =	vpop (xrf2)  }
0x25: {  	(xrf2) =	vadd.scan.msk.f32 $0xffff, v2;
	v3, _, _ =	vpop (xrf2)  }
0x26: {  	v2, _, _ =	vpop (xrf2);
	(xrf2) =	vadd.scan.msk.f32 $0xffff, v4;
	v4 =	vld [tilespmem:s9+$0x0];
	_ =	sdelay $0x2  }
0x27: {  	v12 =	vld [tilespmem:s9+$0x10]  }
0x28: {  	v9, _, _ =	vpop (xrf2)  }
0x29: {  	v11 =	vperm.xlane v1, v0;
	v6 =	vperm.xlane v3, v0;
	v10, _, _ =	vpop (xrf2);
	(xrf2) =	vadd.scan.msk.f32 $0xffff, v4  }
0x2a: {  	v17 =	vld [tilespmem:s9+$0x20];
	v14 =	vperm.xlane v2, v0;
	v7 =	vperm.xlane v9, v0;
	v15, _, _ =	vpop (xrf2)  }
0x2b: {  	v18 =	vperm.xlane v10, v0;
	v16 =	vperm.xlane v15, v0  }
0x2c: {  	v13 =	vadd.f32 v6, v11;
	v7 =	vadd.f32 v7, v14;
	(xrf2) =	vadd.scan.msk.f32 $0xffff, v12  }
0x2d: {  	v21 =	vld [tilespmem:s9+$0x30];
	v8 =	vperm.xlane v5, v0;
	v6 =	vadd.f32 v16, v18  }
0x2e: {  	v7 =	vadd.f32 v7, v13  }
0x2f: {  	v20 =	vadd.f32 v6, v8;
	v12, _, _ =	vpop (xrf2);
	(xrf2) =	vadd.scan.msk.f32 $0xffff, v17  }
0x30: {  	v19 =	vadd.f32 v7, v18;
	v18 =	vld [tilespmem:s9+$0x40]  }
0x31: {  	v20 =	vadd.f32 v20, v7  }
0x32: {  	s11 =	simm.s32 $0x800;
	v4 =	vimm.f32 $0.0e+00;
	v16 =	vadd.f32 v13, v14;
	v17 =	vadd.f32 v6, v7;
	v14, _, _ =	vpop (xrf2);
	(xrf2) =	vadd.scan.msk.f32 $0xffff, v21  }
.LBB2_4:
0x33: {  	p0 =	sne.s32 s11, $0x3FC00;
	v21 =	vld [tilespmem:s9+$0x50];
	v22, _, _ =	vpop (xrf2);
	v19 =	vadd.f32 v19, v4;
	v20 =	vadd.f32 v20, v4  }
0x34: {  	v16 =	vadd.f32 v16, v4;
	v17 =	vadd.f32 v17, v4  }
0x35: {  	(xrf2) =	vadd.scan.msk.f32 $0xffff, v18;
	v18 =	vadd.f32 v7, v4;
	v20 =	vadd.f32 v20, v12  }
0x36: {  	v11 =	vadd.f32 v11, v4;
	v13 =	vadd.f32 v13, v4;
	v23 =	vld [tilespmem:s9+$0x70];
	v24, _, _ =	vpop (xrf2)  }
0x37: {  	v15 =	vadd.f32 v19, v15;
	v17 =	vadd.f32 v17, v5;
	v5 =	vmov v14;
	[tilespmem:s10+$0x70] =	vst v20  }
0x38: {  	s12 =	sshra.s32 s11, $0x2;
	v9 =	vadd.f32 v16, v9;
	v10 =	vadd.f32 v18, v10;
	(xrf2) =	vadd.scan.msk.f32 $0xffff, v21  }
0x39: {  	v11 =	vadd.f32 v11, v3;
	v13 =	vadd.f32 v13, v2;
	v3 =	vmov v24;
	v14 =	vld [tilespmem:s12+$0x60];
	v2, _, _ =	vpop (xrf2);
	[tilespmem:s10+$0x50] =	vst v15  }
0x3a: {  	v15 =	vadd.f32 v1, v4;
	v1 =	vmov v22;
	[tilespmem:s10+$0x60] =	vst v17  }
0x3b: {  	(xrf2) =	vadd.scan.msk.f32 $0xffff, v23;
	[tilespmem:s10+$0x30] =	vst v9  }
0x3c: {  	v16 =	vld [tilespmem:s12+$0x0];
	v9, _, _ =	vpop (xrf2);
	[tilespmem:s10+$0x40] =	vst v10  }
0x3d: {  	[tilespmem:s10+$0x20] =	vst v13  }
0x3e: {  	(xrf2) =	vadd.scan.msk.f32 $0xffff, v14;
	[tilespmem:s10+$0x10] =	vst v11  }
0x3f: {  	v13 =	vld [tilespmem:s12+$0x10];
	v10, _, _ =	vpop (xrf2);
	[tilespmem:s10+$0x0] =	vst v15;
	s10 =	smov.u32 s9;
	s9 =	smov.u32 s12  }
0x40: {  	v11 =	vperm.xlane v1, v0  }
0x41: {  	v12 =	vperm.xlane v12, v0;
	v14 =	vperm.xlane v3, v0;
	(xrf2) =	vadd.scan.msk.f32 $0xffff, v16  }
0x42: {  	v18 =	vperm.xlane v9, v0;
	v16 =	vperm.xlane v2, v0;
	v17 =	vld [tilespmem:s9+$0x20];
	v15, _, _ =	vpop (xrf2)  }
0x43: {  	v21 =	vadd.f32 v12, v8;
	v19 =	vperm.xlane v10, v0;
	v20 =	vperm.xlane v15, v0  }
0x44: {  	(xrf2) =	vadd.scan.msk.f32 $0xffff, v13;
	v13 =	vadd.f32 v14, v11;
	v14 =	vadd.f32 v18, v16  }
0x45: {  	v8 =	vperm.xlane v5, v0;
	v18 =	vadd.f32 v21, v6;
	v22 =	vld [tilespmem:s9+$0x30];
	v12, _, _ =	vpop (xrf2);
	v6 =	vadd.f32 v20, v19  }
.Ltmp1:
0x46: {  	v16 =	vadd.f32 v13, v16;
	v20 =	vadd.f32 v14, v13;
	(pc) =	sbr.rel @p0 .LBB2_4-.Ltmp1, $4  }
0x47: {  	v23 =	vadd.f32 v18, v7;
	(xrf2) =	vadd.scan.msk.f32 $0xffff, v17;
	v21 =	vadd.f32 v6, v8  }
0x48: {  	v18 =	vld [tilespmem:s9+$0x40];
	v14, _, _ =	vpop (xrf2);
	v19 =	vadd.f32 v20, v19;
	v17 =	vadd.f32 v6, v20;
	v7 =	vmov v20  }
0x49: {  	v4 =	vadd.f32 v23, v4;
	v20 =	vadd.f32 v21, v7  }
0x4a: {  	s11 =	sadd.s32 $0x400, s11;
	(xrf2) =	vadd.scan.msk.f32 $0xffff, v22  }
0x4b: {  	v21 =	vld [tilespmem:s9+$0x50];
	_ =	sdelay $0x3  }
0x4c: {  	(xrf2) =	vadd.scan.msk.f32 $0xffff, v18  }
0x4d: {  	(xrf2) =	vadd.scan.msk.f32 $0xffff, v21;
	_ =	sdelay $0x1  }
0x4e: {  	v45 =	vadd.f32 v19, v4;
	v20 =	vadd.f32 v20, v4  }
0x4f: {  	v16 =	vadd.f32 v16, v4;
	v17 =	vadd.f32 v17, v4  }
0x50: {  	v23 =	vadd.f32 v7, v4;
	v49 =	vperm.xlane v12, v0;
	v11 =	vadd.f32 v11, v4  }
0x51: {  	v46, _, _ =	vpop (xrf2);
	v47 =	vld [tilespmem:s9+$0x70];
	v13 =	vadd.f32 v13, v4;
	v1 =	vadd.f32 v1, v4  }
0x52: {  	v20 =	vadd.f32 v20, v12;
	v8 =	vadd.f32 v49, v8;
	v22, _, _ =	vpop (xrf2)  }
0x53: {  	v15 =	vadd.f32 v45, v15;
	v5 =	vadd.f32 v17, v5;
	v48, _, _ =	vpop (xrf2)  }
0x54: {  	v24 =	vperm.xlane v46, v0;
	v9 =	vadd.f32 v16, v9;
	v6 =	vadd.f32 v8, v6;
	v50, _, _ =	vpop (xrf2)  }
0x55: {  	v10 =	vadd.f32 v23, v10;
	v3 =	vadd.f32 v11, v3;
	v25 =	vperm.xlane v22, v0;
	v51, _, _ =	vpop (xrf2)  }
0x56: {  	(xrf2) =	vadd.scan.msk.f32 $0xffff, v47;
	v6 =	vadd.f32 v6, v7;
	v52 =	vperm.xlane v48, v0;
	v53 =	vperm.xlane v50, v0;
	v54, _, _ =	vpop (xrf2)  }
0x57: {  	v25 =	vadd.f32 v25, v24;
	v26 =	vperm.xlane v51, v0;
	v55 =	vperm.xlane v54, v0  }
0x58: {  	[tilespmem:s10+$0x0] =	vst v1;
	v6 =	vadd.f32 v6, v4;
	v21 =	vadd.f32 v53, v52  }
0x59: {  	v56 =	vperm.xlane v14, v0;
	[tilespmem:s10+$0x70] =	vst v20;
	v61 =	vadd.f32 v25, v52;
	v8 =	vadd.f32 v55, v26  }
0x5a: {  	v2 =	vadd.f32 v13, v2;
	[tilespmem:s10+$0x50] =	vst v15;
	v57 =	vadd.f32 v21, v25  }
0x5b: {  	[tilespmem:s10+$0x60] =	vst v5;
	v1 =	vadd.f32 v61, v6;
	v7 =	vadd.f32 v8, v56  }
0x5c: {  	[tilespmem:s10+$0x30] =	vst v9;
	v63 =	vadd.f32 v24, v6;
	v59 =	vadd.f32 v57, v26  }
0x5d: {  	[tilespmem:s10+$0x40] =	vst v10;
	v1 =	vadd.f32 v1, v50;
	v58 =	vadd.f32 v7, v57  }
0x5e: {  	[tilespmem:s10+$0x20] =	vst v2;
	v4 =	vadd.f32 v59, v6;
	v60 =	vadd.f32 v8, v57  }
0x5f: {  	[tilespmem:s9+$0x30] =	vst v1;
	v1 =	vadd.f32 v63, v22;
	v5 =	vadd.f32 v58, v6  }
0x60: {  	[tilespmem:s10+$0x10] =	vst v3;
	v2, _, _ =	vpop (xrf2);
	v4 =	vadd.f32 v4, v54;
	v3 =	vadd.f32 v60, v6  }
0x61: {  	v62 =	vadd.f32 v57, v6;
	[tilespmem:s9+$0x10] =	vst v1;
	v2 =	vadd.f32 v5, v2  }
0x62: {  	[tilespmem:s9+$0x50] =	vst v4;
	v3 =	vadd.f32 v3, v14  }
0x63: {  	v5 =	vadd.f32 v62, v51;
	[tilespmem:s9+$0x70] =	vst v2;
	v2 =	vadd.f32 v25, v6  }
0x64: {  	[tilespmem:s9+$0x60] =	vst v3;
	v3 =	vadd.f32 v46, v6  }
0x65: {  	[tilespmem:s9+$0x40] =	vst v5;
	v2 =	vadd.f32 v2, v48  }
0x66: {  	s12 =	sadd.s32 $0x0, s4;
	[tilespmem:s9+$0x0] =	vst v3  }
0x67: {  	s11 =	simm.s32 $0x100;
	s10 =	simm.s32 $0x0;
	[tilespmem:s9+$0x20] =	vst v2;
	s9 =	simm.s32 $0x80  }
.LBB2_6:
0x68: {  	[hbm4b:s12+s2] =	stream.linear.scatter [tilespmem:s10], [sflag:$0x2], $0x80, $0x38;
	[tilespmem:$0x10000] =	vst v63  }
0x69: {  	s12 =	smov.u32 s9;
	s10 =	smov.u32 s11;
	p0 =	sne.s32 s9, $0x7F80  }
.Ltmp2:
0x6a: {  	s9 =	sadd.s32 $0x80, s9;
	(pc) =	sbr.rel @p0 .LBB2_6-.Ltmp2, $2  }
0x6b: {  	_ =	sdelay $0x2  }
0x6c: {  	s11 =	sadd.s32 $0x100, s11;
	s12 =	sadd.s32 s12, s4  }
0x6d: {  	s8 =	sadd.s32 $0x1, s8  }
0x6e: {  	p0 =	sne.s32 s8, s5  }
.Ltmp3:
0x6f: {  	_ = 	snop;
	(pc) =	sbr.rel @p0 .LBB2_1-.Ltmp3, $4  }
0x70: {  	[hbm4b:s12+s2] =	stream.linear.scatter [tilespmem:s10], [sflag:$0x2], $0x80, $0x38;
	[tilespmem:$0x10000] =	vst v63  }
0x71: {  	_ =	swait.ge [sflag:s7], $0x8000  }
0x72: {  	[sflag:s7] =	ssyncset.done $0x0  }
0x73: {  	[sflag:s7] =	ssyncadd.s32 $0xFFFF8000  }
0x74: {  	_ =	sfence.sel $0x180000  }
0x75: {  	[bflag:$0x0] =	sbarrier.arrive $0xFFFF  }
0x76: {  	p0 =	sne.s32 s1, $0x0;
	_ =	strace $0x90000047  }
0x77: {  	s0 =	sadd.s32 @!p0 $0x100000, s0;
	[bflag:$0x2] =	sbarrier.arrive $0xFFFF  }
0x78: {  	[sflag:s0] =	ssyncadd.tile.s32 @!p0 $0x1;
	_ =	shalt  }
.Lfunc_end2:
_tile_overlayer_lowered:
.L_overlay_start_2:
0x79: {  	(tag) =	ssettag $0x2  }
0x7a: {  	s0 =	rddreg [dreg:$0x0];
	s2 =	stileid.u32  }
0x7b: {  	s1 =	rddreg [dreg:$0x1];
	p0 =	sne.s32 s2, $0x0  }
0x7c: {  	s3 =	rddreg [dreg:$0x2];
	[bflag:$0x3] =	sbarrier.arrive $0xFFFF;
	s2 =	simm.s32 @!p0 $0x1C03  }
0x7d: {  	[timem:s3], [sflag:s2] =	dma.local @!p0 [hbm:s0], s1  }
0x7e: {  	s0 =	simm.s32 @!p0 $0x3  }
0x7f: {  	_ =	swait.ge @!p0 [sflag:s0], s1  }
0x80: {  	s1 =	ssub.s32 @!p0 $0x0, s1;
	[sflag:s0] =	ssyncset.done @!p0 $0x0  }
0x81: {  	[sflag:s0] =	ssyncadd.s32 @!p0 s1  }
0x82: {  	[bflag:$0x3] =	sbarrier.arrive $0xFFFF  }
0x83: {  	_ =	shalt  }

</sc_bundles>
